<compile_context>
chip_gen: v7x
topology: tpu7x:2x2x1
jax: 0.10.2.dev20260603
libtpu: 0.0.44.dev20260713+nightly
codegen_flags: <defaults>
</compile_context>

<pallas_src>
import functools

import jax
import jax.numpy as jnp
from jax import lax
from jax.experimental import pallas as pl
from jax.experimental.pallas import tpu as pltpu
from jax.experimental.pallas import tpu_sc as plsc

N = 10000
E = 320000
D = 128
H = 64
OUT = 10
OUTP = 16

NPAD = 10240
NTILES = 32
EPT = NPAD
EPAD = NTILES * EPT
CHUNK = 128
NCHUNKS = EPT // CHUNK
ROWS_PER_TILE = NPAD // 16
TRASH = N + 8


def _sc_scatter_fn(width):
  mesh = plsc.VectorSubcoreMesh(core_axis_name="c", subcore_axis_name="s")

  @functools.partial(
      pl.kernel,
      mesh=mesh,
      compiler_params=pltpu.CompilerParams(use_tc_tiling_on_sc=False),
      out_type=jax.ShapeDtypeStruct((2, NPAD, width), jnp.float32),
      scratch_types=[
          pltpu.VMEM((NCHUNKS, CHUNK), jnp.int32),
          pltpu.VMEM((NCHUNKS, 1, CHUNK), jnp.int32),
          pltpu.VMEM((3, CHUNK, width), jnp.float32),
          pltpu.VMEM_SHARED((NPAD, width), jnp.float32),
          pltpu.VMEM_SHARED((NPAD, width), jnp.float32),
          pltpu.SemaphoreType.DMA,
          pltpu.SemaphoreType.DMA,
      ],
  )
  def sc_scatter(table_hbm, src_hbm, dst_hbm, zeros_hbm, out_hbm,
                 src_v, dst_v, bufs, tab_sh, acc_sh, semg, sems):
    c = lax.axis_index("c")
    s = lax.axis_index("s")
    wid = s * 2 + c
    base = s * ROWS_PER_TILE
    pltpu.sync_copy(zeros_hbm, acc_sh.at[pl.ds(base, ROWS_PER_TILE)])
    pltpu.sync_copy(table_hbm.at[pl.ds(base, ROWS_PER_TILE)],
                    tab_sh.at[pl.ds(base, ROWS_PER_TILE)])
    pltpu.sync_copy(src_hbm.at[wid], src_v)
    pltpu.sync_copy(dst_hbm.at[wid], dst_v)
    plsc.subcore_barrier()

    pltpu.async_copy(tab_sh.at[src_v.at[0]], bufs.at[0], semg)
    pltpu.async_copy(tab_sh.at[src_v.at[1]], bufs.at[1], semg)

    def body(j, carry):
      par = lax.rem(j, 3)
      pltpu.make_async_copy(tab_sh.at[src_v.at[j]], bufs.at[par], semg).wait()
      pltpu.async_copy(bufs.at[par], acc_sh.at[dst_v.at[j, 0]], sems,
                       add=True)

      @pl.when(j >= 1)
      def _():
        pltpu.make_async_copy(bufs.at[par], acc_sh.at[dst_v.at[j, 0]],
                              sems).wait()

      @pl.when(j < NCHUNKS - 2)
      def _():
        pltpu.async_copy(tab_sh.at[src_v.at[j + 2]],
                         bufs.at[lax.rem(j + 2, 3)], semg)
      return carry

    lax.fori_loop(0, NCHUNKS, body, 0)
    pltpu.make_async_copy(bufs.at[0], acc_sh.at[dst_v.at[0, 0]], sems).wait()
    plsc.subcore_barrier()
    pltpu.sync_copy(acc_sh.at[pl.ds(base, ROWS_PER_TILE)],
                    out_hbm.at[c, pl.ds(base, ROWS_PER_TILE)])

  return sc_scatter


def _sc_deg_fn(width):
  mesh = plsc.VectorSubcoreMesh(core_axis_name="c", subcore_axis_name="s")

  @functools.partial(
      pl.kernel,
      mesh=mesh,
      compiler_params=pltpu.CompilerParams(use_tc_tiling_on_sc=False),
      out_type=jax.ShapeDtypeStruct((2, NPAD, width), jnp.float32),
      scratch_types=[
          pltpu.VMEM((NCHUNKS, 1, CHUNK), jnp.int32),
          pltpu.VMEM((CHUNK, width), jnp.float32),
          pltpu.VMEM_SHARED((NPAD, width), jnp.float32),
          pltpu.SemaphoreType.DMA,
      ],
  )
  def sc_deg(ones_hbm, dst_hbm, zeros_hbm, out_hbm, dst_v, ones_v, acc_sh,
             sems):
    c = lax.axis_index("c")
    s = lax.axis_index("s")
    wid = s * 2 + c
    base = s * ROWS_PER_TILE
    pltpu.sync_copy(zeros_hbm, acc_sh.at[pl.ds(base, ROWS_PER_TILE)])
    pltpu.sync_copy(ones_hbm, ones_v)
    pltpu.sync_copy(dst_hbm.at[wid], dst_v)
    plsc.subcore_barrier()

    def body(j, carry):
      pltpu.async_copy(ones_v, acc_sh.at[dst_v.at[j, 0]], sems, add=True)

      @pl.when(j >= 3)
      def _():
        pltpu.make_async_copy(ones_v, acc_sh.at[dst_v.at[j, 0]], sems).wait()
      return carry

    lax.fori_loop(0, NCHUNKS, body, 0, unroll=2)
    for _ in range(3):
      pltpu.make_async_copy(ones_v, acc_sh.at[dst_v.at[0, 0]], sems).wait()
    plsc.subcore_barrier()
    pltpu.sync_copy(acc_sh.at[pl.ds(base, ROWS_PER_TILE)],
                    out_hbm.at[c, pl.ds(base, ROWS_PER_TILE)])

  return sc_deg


_sc_scatter_w64 = _sc_scatter_fn(H)
_sc_scatter_w16 = _sc_scatter_fn(OUTP)
_sc_deg_w16 = _sc_deg_fn(OUTP)



BM = 2048
BMP = BM // 2
GRID = NPAD // BM


def _tc_first_body(x_ref, w_ref, disp_ref, y_ref):
  xw = jnp.dot(x_ref[...], w_ref[...], preferred_element_type=jnp.float32)
  y_ref[...] = xw * disp_ref[...]


def _tc_mid_body(accp_ref, yp_ref, disp_ref, dispo_ref, bd_ref, wd_ref,
                 out_ref):
  agg = accp_ref[0] + accp_ref[1] + yp_ref[...]
  h = jnp.maximum(agg * disp_ref[...] + bd_ref[...], 0.0)
  out_ref[...] = jnp.dot(h, wd_ref[...],
                         preferred_element_type=jnp.float32) * dispo_ref[...]


def _tc_last_body(accp_ref, yp_ref, disp_ref, bd_ref, out_ref):
  out_ref[...] = ((accp_ref[0] + accp_ref[1] + yp_ref[...]) * disp_ref[...]
                  + bd_ref[...])


def _tc_first(x, w, disp):
  return pl.pallas_call(
      _tc_first_body,
      grid=(GRID,),
      in_specs=[
          pl.BlockSpec((BMP, 2 * D), lambda i: (i, 0)),
          pl.BlockSpec((2 * D, 128), lambda i: (0, 0)),
          pl.BlockSpec((BMP, 128), lambda i: (i, 0)),
      ],
      out_specs=pl.BlockSpec((BMP, 128), lambda i: (i, 0)),
      out_shape=jax.ShapeDtypeStruct((NPAD // 2, 128), jnp.float32),
  )(x, w, disp)


def _tc_mid(accp, yp, disp, dispo, bd, wd):
  wout = wd.shape[1]
  return pl.pallas_call(
      _tc_mid_body,
      grid=(GRID,),
      in_specs=[
          pl.BlockSpec((2, BMP, 128), lambda i: (0, i, 0)),
          pl.BlockSpec((BMP, 128), lambda i: (i, 0)),
          pl.BlockSpec((BMP, 128), lambda i: (i, 0)),
          pl.BlockSpec((BMP, wout), lambda i: (i, 0)),
          pl.BlockSpec((1, 128), lambda i: (0, 0)),
          pl.BlockSpec((128, wout), lambda i: (0, 0)),
      ],
      out_specs=pl.BlockSpec((BMP, wout), lambda i: (i, 0)),
      out_shape=jax.ShapeDtypeStruct((NPAD // 2, wout), jnp.float32),
  )(accp, yp, disp, dispo, bd, wd)


def _tc_last(accp8, yp8, disp8, bd8):
  bmp8 = BM // 8
  return pl.pallas_call(
      _tc_last_body,
      grid=(GRID,),
      in_specs=[
          pl.BlockSpec((2, bmp8, 128), lambda i: (0, i, 0)),
          pl.BlockSpec((bmp8, 128), lambda i: (i, 0)),
          pl.BlockSpec((bmp8, 128), lambda i: (i, 0)),
          pl.BlockSpec((1, 128), lambda i: (0, 0)),
      ],
      out_specs=pl.BlockSpec((bmp8, 128), lambda i: (i, 0)),
      out_shape=jax.ShapeDtypeStruct((NPAD // 8, 128), jnp.float32),
  )(accp8, yp8, disp8, bd8)


def _blockdiag(w):
  kin, kout = w.shape
  z = jnp.zeros((kin, kout), w.dtype)
  return jnp.concatenate([
      jnp.concatenate([w, z], axis=1),
      jnp.concatenate([z, w], axis=1),
  ], axis=0)


def kernel(x, edge_index, W1, b1, W2, b2, W3, b3):
  ei_flat = edge_index.reshape(2 * E)
  src = ei_flat[:E]
  dst = ei_flat[E:]
  pad_e = EPAD - E
  trash = N + jnp.arange(pad_e, dtype=jnp.int32) % (NPAD - N)
  src_p = jnp.concatenate([src, jnp.zeros((pad_e,), jnp.int32)])
  dst_p = jnp.concatenate([dst, trash])
  src_r = src_p.reshape(NTILES, NCHUNKS, CHUNK)
  dst_r = dst_p.reshape(NTILES, NCHUNKS, 1, CHUNK)

  ones16 = jnp.ones((CHUNK, OUTP), jnp.float32)
  z64 = jnp.zeros((ROWS_PER_TILE, H), jnp.float32)
  z16 = jnp.zeros((ROWS_PER_TILE, OUTP), jnp.float32)

  degp = _sc_deg_w16(ones16, dst_r, z16)

  deg = degp[0, :, 0] + degp[1, :, 0] + 1.0
  dis = lax.rsqrt(deg)
  disp = jnp.broadcast_to(dis[:, None], (NPAD, H)).reshape(NPAD // 2, 128)
  disp32 = jnp.broadcast_to(dis[:, None], (NPAD, OUTP)).reshape(NPAD // 2, 32)
  disp8 = jnp.broadcast_to(dis[:, None], (NPAD, OUTP)).reshape(NPAD // 8, 128)
  b1d = jnp.concatenate([b1, b1]).reshape(1, 128)
  b2d = jnp.concatenate([b2, b2]).reshape(1, 128)
  w2d = _blockdiag(W2)
  w3p = jnp.pad(W3, ((0, 0), (0, OUTP - OUT)))
  w3d = _blockdiag(w3p)
  b3p = jnp.pad(b3, (0, OUTP - OUT))
  b3d8 = jnp.tile(b3p, 8).reshape(1, 128)

  xpp = jnp.pad(x.reshape(N // 2, 2 * D), ((0, (NPAD - N) // 2), (0, 0)))
  w1d = _blockdiag(W1)
  y1p = _tc_first(xpp, w1d, disp)
  acc1 = _sc_scatter_w64(y1p.reshape(NPAD, H), src_r, dst_r, z64)
  y2p = _tc_mid(acc1.reshape(2, NPAD // 2, 128), y1p, disp, disp, b1d, w2d)
  acc2 = _sc_scatter_w64(y2p.reshape(NPAD, H), src_r, dst_r, z64)
  y3p = _tc_mid(acc2.reshape(2, NPAD // 2, 128), y2p, disp, disp32, b2d, w3d)
  acc3 = _sc_scatter_w16(y3p.reshape(NPAD, OUTP), src_r, dst_r, z16)
  out8 = _tc_last(acc3.reshape(2, NPAD // 8, 128),
                  y3p.reshape(NPAD // 8, 128), disp8, b3d8)
  return out8.reshape(NPAD, OUTP)[:N, :OUT]

# --- scband reference (transcript-rebuilt; emitter-appended) ---
"""Pipeline reference for scband-gcn-63995012710872 (READ-ONLY COPY).

The authoritative reference and input builder live on the scoring server;
editing this copy changes nothing except your own understanding.
"""

import jax, jax.numpy as jnp
import numpy as np

N = 10000
E = 320000
D = 128
H = 64
OUT = 10


def setup_inputs(seed: int = 0) -> dict:
    key = jax.random.key(seed)
    ks = jax.random.split(key, 9)
    x = jax.random.normal(ks[0], (N, D), dtype=jnp.float32)
    edge_index = jax.random.randint(ks[1], (2, E), 0, N, dtype=jnp.int32)
    W1 = jax.random.normal(ks[2], (D, H), dtype=jnp.float32) * 0.05
    b1 = jnp.zeros((H,), dtype=jnp.float32)
    W2 = jax.random.normal(ks[3], (H, H), dtype=jnp.float32) * 0.05
    b2 = jnp.zeros((H,), dtype=jnp.float32)
    W3 = jax.random.normal(ks[4], (H, OUT), dtype=jnp.float32) * 0.05
    b3 = jnp.zeros((OUT,), dtype=jnp.float32)
    return {"x": x, "edge_index": edge_index, "W1": W1, "b1": b1, "W2": W2, "b2": b2, "W3": W3, "b3": b3}


def gcn_conv(x, edge_index, W, b):
    # Faithful PyG GCNConv: add self-loops, symmetric D^{-1/2}(A+I)D^{-1/2} normalization
    n = x.shape[0]
    src = edge_index[0]
    dst = edge_index[1]
    loop = jnp.arange(n, dtype=src.dtype)
    src = jnp.concatenate([src, loop])
    dst = jnp.concatenate([dst, loop])
    xw = x @ W
    ones = jnp.ones(src.shape[0], dtype=xw.dtype)
    deg = jax.ops.segment_sum(ones, dst, num_segments=n)
    deg_inv_sqrt = jnp.where(deg > 0, jax.lax.rsqrt(jnp.maximum(deg, 1e-12)), 0.0)
    norm = deg_inv_sqrt[src] * deg_inv_sqrt[dst]
    msgs = xw[src] * norm[:, None]
    out = jax.ops.segment_sum(msgs, dst, num_segments=n)
    return out + b


def reference(x, edge_index, W1, b1, W2, b2, W3, b3):
    h = jax.nn.relu(gcn_conv(x, edge_index, W1, b1))
    h = jax.nn.relu(gcn_conv(h, edge_index, W2, b2))
    return gcn_conv(h, edge_index, W3, b3)

if __name__ == "__main__":
    import jax
    _d = setup_inputs()
    print(jax.jit(kernel)(*tuple(_d.values())))

</pallas_src>

<mosaic_0001>
#map = affine_map<(d0, d1) -> (0, 0)>
#map1 = affine_map<(d0, d1) -> (0, 0, 0)>
#map2 = affine_map<(d0, d1) -> (0, 0, 0, 0)>
module attributes {stable_mosaic.version = 14 : i64} {
  func.func @sc_scatter(%arg0: i32, %arg1: i32, %arg2: memref<10240x16xf32, #tpu.memory_space<hbm>>, %arg3: memref<32x80x128xi32, #tpu.memory_space<hbm>>, %arg4: memref<32x80x1x128xi32, #tpu.memory_space<hbm>>, %arg5: memref<640x16xf32, #tpu.memory_space<hbm>>, %arg6: memref<2x10240x16xf32, #tpu.memory_space<hbm>>, %arg7: memref<80x128xi32, #tpu.memory_space<vmem>>, %arg8: memref<80x1x128xi32, #tpu.memory_space<vmem>>, %arg9: memref<3x128x16xf32, #tpu.memory_space<vmem>>, %arg10: memref<10240x16xf32, #tpu.memory_space<vmem_shared>>, %arg11: memref<10240x16xf32, #tpu.memory_space<vmem_shared>>, %arg12: memref<!tpu.dma_semaphore, #tpu.memory_space<semaphore_mem>>, %arg13: memref<!tpu.dma_semaphore, #tpu.memory_space<semaphore_mem>>) attributes {dimension_semantics = [#tpu.dimension_semantics<core_parallel>, #tpu.dimension_semantics<subcore_parallel>], iteration_bounds = array<i64: 2, 16>, scalar_prefetch = 0 : i64, scratch_operands = 7 : i64, tpu.core_type = #tpu.core_type<sc_vector_subcore>, window_params = [{transform_indices = #map}, {transform_indices = #map1}, {transform_indices = #map2}, {transform_indices = #map}, {transform_indices = #map1}]} {
    %mul3A = arith.constant 2 : i32
    %mul3A_0 = arith.muli %arg1, %mul3A : i32
    %add3A = arith.addi %mul3A_0, %arg0 : i32
    %mul3A_1 = arith.constant 640 : i32
    %mul3A_2 = arith.muli %arg1, %mul3A_1 : i32
    "tpu.region"() ({
      %run_scoped3A = tpu.sem_alloc : memref<!tpu.dma_semaphore, #tpu.memory_space<semaphore_mem>>
      %dma_start3A_44 = arith.constant 0 : i32
      %dma_start3A_45 = tpu.memref_slice %arg11[%mul3A_2, %dma_start3A_44] : memref<10240x16xf32, #tpu.memory_space<vmem_shared>> -> memref<640x16xf32, #tpu.memory_space<vmem_shared>>
      tpu.enqueue_dma source(%arg5 : memref<640x16xf32, #tpu.memory_space<hbm>>) target(%dma_start3A_45 : memref<640x16xf32, #tpu.memory_space<vmem_shared>>) target_semaphore(%run_scoped3A : memref<!tpu.dma_semaphore, #tpu.memory_space<semaphore_mem>>)
      %dma_wait3A_46 = arith.constant 0 : i32
      %dma_wait3A_47 = tpu.memref_slice %arg11[%mul3A_2, %dma_wait3A_46] : memref<10240x16xf32, #tpu.memory_space<vmem_shared>> -> memref<640x16xf32, #tpu.memory_space<vmem_shared>>
      tpu.wait_dma2 semaphore(%run_scoped3A : memref<!tpu.dma_semaphore, #tpu.memory_space<semaphore_mem>>) src(%arg5 : memref<640x16xf32, #tpu.memory_space<hbm>>) dst(%dma_wait3A_47 : memref<640x16xf32, #tpu.memory_space<vmem_shared>>)
      tpu.yield
    }) : () -> ()
    "tpu.region"() ({
      %run_scoped3A = tpu.sem_alloc : memref<!tpu.dma_semaphore, #tpu.memory_space<semaphore_mem>>
      %dma_start3A_44 = arith.constant 0 : i32
      %dma_start3A_45 = tpu.memref_slice %arg10[%mul3A_2, %dma_start3A_44] : memref<10240x16xf32, #tpu.memory_space<vmem_shared>> -> memref<640x16xf32, #tpu.memory_space<vmem_shared>>
      %dma_start3A_46 = arith.constant 0 : i32
      %dma_start3A_47 = tpu.memref_slice %arg2[%mul3A_2, %dma_start3A_46] : memref<10240x16xf32, #tpu.memory_space<hbm>> -> memref<640x16xf32, #tpu.memory_space<hbm>>
      tpu.enqueue_dma source(%dma_start3A_47 : memref<640x16xf32, #tpu.memory_space<hbm>>) target(%dma_start3A_45 : memref<640x16xf32, #tpu.memory_space<vmem_shared>>) target_semaphore(%run_scoped3A : memref<!tpu.dma_semaphore, #tpu.memory_space<semaphore_mem>>)
      %dma_wait3A_48 = arith.constant 0 : i32
      %dma_wait3A_49 = tpu.memref_slice %arg10[%mul3A_2, %dma_wait3A_48] : memref<10240x16xf32, #tpu.memory_space<vmem_shared>> -> memref<640x16xf32, #tpu.memory_space<vmem_shared>>
      %dma_wait3A_50 = arith.constant 0 : i32
      %dma_wait3A_51 = tpu.memref_slice %arg2[%mul3A_2, %dma_wait3A_50] : memref<10240x16xf32, #tpu.memory_space<hbm>> -> memref<640x16xf32, #tpu.memory_space<hbm>>
      tpu.wait_dma2 semaphore(%run_scoped3A : memref<!tpu.dma_semaphore, #tpu.memory_space<semaphore_mem>>) src(%dma_wait3A_51 : memref<640x16xf32, #tpu.memory_space<hbm>>) dst(%dma_wait3A_49 : memref<640x16xf32, #tpu.memory_space<vmem_shared>>)
      tpu.yield
    }) : () -> ()
    "tpu.region"() ({
      %run_scoped3A = tpu.sem_alloc : memref<!tpu.dma_semaphore, #tpu.memory_space<semaphore_mem>>
      %dma_start3A_44 = arith.constant 0 : i32
      %dma_start3A_45 = arith.constant 0 : i32
      %dma_start3A_46 = tpu.memref_slice %arg3[%add3A, %dma_start3A_44, %dma_start3A_45] : memref<32x80x128xi32, #tpu.memory_space<hbm>> -> memref<1x80x128xi32, #tpu.memory_space<hbm>>
      %dma_start3A_47 = tpu.memref_squeeze %dma_start3A_46 : memref<1x80x128xi32, #tpu.memory_space<hbm>> -> memref<80x128xi32, #tpu.memory_space<hbm>>
      %dma_start3A_48 = arith.constant 0 : i32
      %dma_start3A_49 = arith.constant 0 : i32
      %dma_start3A_50 = tpu.memref_slice %arg3[%add3A, %dma_start3A_48, %dma_start3A_49] : memref<32x80x128xi32, #tpu.memory_space<hbm>> -> memref<1x80x128xi32, #tpu.memory_space<hbm>>
      %dma_start3A_51 = tpu.memref_squeeze %dma_start3A_50 : memref<1x80x128xi32, #tpu.memory_space<hbm>> -> memref<80x128xi32, #tpu.memory_space<hbm>>
      tpu.enqueue_dma source(%dma_start3A_51 : memref<80x128xi32, #tpu.memory_space<hbm>>) target(%arg7 : memref<80x128xi32, #tpu.memory_space<vmem>>) target_semaphore(%run_scoped3A : memref<!tpu.dma_semaphore, #tpu.memory_space<semaphore_mem>>)
      %dma_wait3A_52 = arith.constant 0 : i32
      %dma_wait3A_53 = arith.constant 0 : i32
      %dma_wait3A_54 = tpu.memref_slice %arg3[%add3A, %dma_wait3A_52, %dma_wait3A_53] : memref<32x80x128xi32, #tpu.memory_space<hbm>> -> memref<1x80x128xi32, #tpu.memory_space<hbm>>
      %dma_wait3A_55 = tpu.memref_squeeze %dma_wait3A_54 : memref<1x80x128xi32, #tpu.memory_space<hbm>> -> memref<80x128xi32, #tpu.memory_space<hbm>>
      %dma_wait3A_56 = arith.constant 0 : i32
      %dma_wait3A_57 = arith.constant 0 : i32
      %dma_wait3A_58 = tpu.memref_slice %arg3[%add3A, %dma_wait3A_56, %dma_wait3A_57] : memref<32x80x128xi32, #tpu.memory_space<hbm>> -> memref<1x80x128xi32, #tpu.memory_space<hbm>>
      %dma_wait3A_59 = tpu.memref_squeeze %dma_wait3A_58 : memref<1x80x128xi32, #tpu.memory_space<hbm>> -> memref<80x128xi32, #tpu.memory_space<hbm>>
      tpu.wait_dma2 semaphore(%run_scoped3A : memref<!tpu.dma_semaphore, #tpu.memory_space<semaphore_mem>>) src(%dma_wait3A_59 : memref<80x128xi32, #tpu.memory_space<hbm>>) dst(%arg7 : memref<80x128xi32, #tpu.memory_space<vmem>>)
      tpu.yield
    }) : () -> ()
    "tpu.region"() ({
      %run_scoped3A = tpu.sem_alloc : memref<!tpu.dma_semaphore, #tpu.memory_space<semaphore_mem>>
      %dma_start3A_44 = arith.constant 0 : i32
      %dma_start3A_45 = arith.constant 0 : i32
      %dma_start3A_46 = arith.constant 0 : i32
      %dma_start3A_47 = tpu.memref_slice %arg4[%add3A, %dma_start3A_44, %dma_start3A_45, %dma_start3A_46] : memref<32x80x1x128xi32, #tpu.memory_space<hbm>> -> memref<1x80x1x128xi32, #tpu.memory_space<hbm>>
      %dma_start3A_48 = tpu.memref_squeeze %dma_start3A_47 : memref<1x80x1x128xi32, #tpu.memory_space<hbm>> -> memref<80x1x128xi32, #tpu.memory_space<hbm>>
      %dma_start3A_49 = arith.constant 0 : i32
      %dma_start3A_50 = arith.constant 0 : i32
      %dma_start3A_51 = arith.constant 0 : i32
      %dma_start3A_52 = tpu.memref_slice %arg4[%add3A, %dma_start3A_49, %dma_start3A_50, %dma_start3A_51] : memref<32x80x1x128xi32, #tpu.memory_space<hbm>> -> memref<1x80x1x128xi32, #tpu.memory_space<hbm>>
      %dma_start3A_53 = tpu.memref_squeeze %dma_start3A_52 : memref<1x80x1x128xi32, #tpu.memory_space<hbm>> -> memref<80x1x128xi32, #tpu.memory_space<hbm>>
      tpu.enqueue_dma source(%dma_start3A_53 : memref<80x1x128xi32, #tpu.memory_space<hbm>>) target(%arg8 : memref<80x1x128xi32, #tpu.memory_space<vmem>>) target_semaphore(%run_scoped3A : memref<!tpu.dma_semaphore, #tpu.memory_space<semaphore_mem>>)
      %dma_wait3A_54 = arith.constant 0 : i32
      %dma_wait3A_55 = arith.constant 0 : i32
      %dma_wait3A_56 = arith.constant 0 : i32
      %dma_wait3A_57 = tpu.memref_slice %arg4[%add3A, %dma_wait3A_54, %dma_wait3A_55, %dma_wait3A_56] : memref<32x80x1x128xi32, #tpu.memory_space<hbm>> -> memref<1x80x1x128xi32, #tpu.memory_space<hbm>>
      %dma_wait3A_58 = tpu.memref_squeeze %dma_wait3A_57 : memref<1x80x1x128xi32, #tpu.memory_space<hbm>> -> memref<80x1x128xi32, #tpu.memory_space<hbm>>
      %dma_wait3A_59 = arith.constant 0 : i32
      %dma_wait3A_60 = arith.constant 0 : i32
      %dma_wait3A_61 = arith.constant 0 : i32
      %dma_wait3A_62 = tpu.memref_slice %arg4[%add3A, %dma_wait3A_59, %dma_wait3A_60, %dma_wait3A_61] : memref<32x80x1x128xi32, #tpu.memory_space<hbm>> -> memref<1x80x1x128xi32, #tpu.memory_space<hbm>>
      %dma_wait3A_63 = tpu.memref_squeeze %dma_wait3A_62 : memref<1x80x1x128xi32, #tpu.memory_space<hbm>> -> memref<80x1x128xi32, #tpu.memory_space<hbm>>
      tpu.wait_dma2 semaphore(%run_scoped3A : memref<!tpu.dma_semaphore, #tpu.memory_space<semaphore_mem>>) src(%dma_wait3A_63 : memref<80x1x128xi32, #tpu.memory_space<hbm>>) dst(%arg8 : memref<80x1x128xi32, #tpu.memory_space<vmem>>)
      tpu.yield
    }) : () -> ()
    %barrier3A = arith.constant 0 : index
    tpu.barrier barrier_id(%barrier3A)
    %dma_start3A = arith.constant 0 : i32
    %dma_start3A_3 = arith.constant 0 : i32
    %dma_start3A_4 = arith.constant 0 : i32
    %dma_start3A_5 = arith.constant 0 : i32
    %dma_start3A_6 = tpu.memref_slice %arg9[%dma_start3A_3, %dma_start3A_4, %dma_start3A_5] : memref<3x128x16xf32, #tpu.memory_space<vmem>> -> memref<1x128x16xf32, #tpu.memory_space<vmem>>
    %dma_start3A_7 = tpu.memref_squeeze %dma_start3A_6 : memref<1x128x16xf32, #tpu.memory_space<vmem>> -> memref<128x16xf32, #tpu.memory_space<vmem>>
    %dma_start3A_8 = arith.constant 0 : i32
    %dma_start3A_9 = tpu.memref_slice %arg7[%dma_start3A, %dma_start3A_8] : memref<80x128xi32, #tpu.memory_space<vmem>> -> memref<1x128xi32, #tpu.memory_space<vmem>>
    %dma_start3A_10 = tpu.memref_squeeze %dma_start3A_9 : memref<1x128xi32, #tpu.memory_space<vmem>> -> memref<128xi32, #tpu.memory_space<vmem>>
    %dma_start3A_11 = arith.constant 0 : i32
    %dma_start3A_12 = arith.constant 0 : i32
    %dma_start3A_13 = tpu.memref_slice %arg10[%dma_start3A_11, %dma_start3A_12] : memref<10240x16xf32, #tpu.memory_space<vmem_shared>> -> memref<10240x16xf32, #tpu.memory_space<vmem_shared>>
    tpu.enqueue_indirect_dma source(%dma_start3A_13 : memref<10240x16xf32, #tpu.memory_space<vmem_shared>>) target(%dma_start3A_7 : memref<128x16xf32, #tpu.memory_space<vmem>>) offsets(%dma_start3A_10 : memref<128xi32, #tpu.memory_space<vmem>>) semaphore(%arg12 : memref<!tpu.dma_semaphore, #tpu.memory_space<semaphore_mem>>)
    %dma_start3A_14 = arith.constant 1 : i32
    %dma_start3A_15 = arith.constant 1 : i32
    %dma_start3A_16 = arith.constant 0 : i32
    %dma_start3A_17 = arith.constant 0 : i32
    %dma_start3A_18 = tpu.memref_slice %arg9[%dma_start3A_15, %dma_start3A_16, %dma_start3A_17] : memref<3x128x16xf32, #tpu.memory_space<vmem>> -> memref<1x128x16xf32, #tpu.memory_space<vmem>>
    %dma_start3A_19 = tpu.memref_squeeze %dma_start3A_18 : memref<1x128x16xf32, #tpu.memory_space<vmem>> -> memref<128x16xf32, #tpu.memory_space<vmem>>
    %dma_start3A_20 = arith.constant 0 : i32
    %dma_start3A_21 = tpu.memref_slice %arg7[%dma_start3A_14, %dma_start3A_20] : memref<80x128xi32, #tpu.memory_space<vmem>> -> memref<1x128xi32, #tpu.memory_space<vmem>>
    %dma_start3A_22 = tpu.memref_squeeze %dma_start3A_21 : memref<1x128xi32, #tpu.memory_space<vmem>> -> memref<128xi32, #tpu.memory_space<vmem>>
    %dma_start3A_23 = arith.constant 0 : i32
    %dma_start3A_24 = arith.constant 0 : i32
    %dma_start3A_25 = tpu.memref_slice %arg10[%dma_start3A_23, %dma_start3A_24] : memref<10240x16xf32, #tpu.memory_space<vmem_shared>> -> memref<10240x16xf32, #tpu.memory_space<vmem_shared>>
    tpu.enqueue_indirect_dma source(%dma_start3A_25 : memref<10240x16xf32, #tpu.memory_space<vmem_shared>>) target(%dma_start3A_19 : memref<128x16xf32, #tpu.memory_space<vmem>>) offsets(%dma_start3A_22 : memref<128xi32, #tpu.memory_space<vmem>>) semaphore(%arg12 : memref<!tpu.dma_semaphore, #tpu.memory_space<semaphore_mem>>)
    %scan3A = arith.constant 0 : i32
    %scan3A_26 = arith.constant 0 : i32
    %scan3A_27 = arith.constant 80 : i32
    %scan3A_28 = arith.addi %scan3A_26, %scan3A_27 : i32
    %scan3A_29 = arith.constant 1 : i32
    scf.for %scan3A_44 = %scan3A_26 to %scan3A_28 step %scan3A_29  : i32 {
      %rem3A = arith.constant 3 : i32
      %rem3A_45 = arith.remsi %scan3A_44, %rem3A : i32
      %dma_wait3A_46 = arith.constant 0 : i32
      %dma_wait3A_47 = arith.constant 0 : i32
      %dma_wait3A_48 = tpu.memref_slice %arg9[%rem3A_45, %dma_wait3A_46, %dma_wait3A_47] : memref<3x128x16xf32, #tpu.memory_space<vmem>> -> memref<1x128x16xf32, #tpu.memory_space<vmem>>
      %dma_wait3A_49 = tpu.memref_squeeze %dma_wait3A_48 : memref<1x128x16xf32, #tpu.memory_space<vmem>> -> memref<128x16xf32, #tpu.memory_space<vmem>>
      %dma_wait3A_50 = arith.constant 0 : i32
      %dma_wait3A_51 = tpu.memref_slice %arg7[%scan3A_44, %dma_wait3A_50] : memref<80x128xi32, #tpu.memory_space<vmem>> -> memref<1x128xi32, #tpu.memory_space<vmem>>
      %dma_wait3A_52 = tpu.memref_squeeze %dma_wait3A_51 : memref<1x128xi32, #tpu.memory_space<vmem>> -> memref<128xi32, #tpu.memory_space<vmem>>
      %dma_wait3A_53 = arith.constant 0 : i32
      %dma_wait3A_54 = arith.constant 0 : i32
      %dma_wait3A_55 = tpu.memref_slice %arg10[%dma_wait3A_53, %dma_wait3A_54] : memref<10240x16xf32, #tpu.memory_space<vmem_shared>> -> memref<10240x16xf32, #tpu.memory_space<vmem_shared>>
      tpu.wait_indirect_dma semaphore(%arg12 : memref<!tpu.dma_semaphore, #tpu.memory_space<semaphore_mem>>) src(%dma_wait3A_55 : memref<10240x16xf32, #tpu.memory_space<vmem_shared>>) dst(%dma_wait3A_49 : memref<128x16xf32, #tpu.memory_space<vmem>>)
      %dma_start3A_56 = arith.constant 0 : i32
      %dma_start3A_57 = arith.constant 0 : i32
      %dma_start3A_58 = arith.constant 0 : i32
      %dma_start3A_59 = tpu.memref_slice %arg9[%rem3A_45, %dma_start3A_57, %dma_start3A_58] : memref<3x128x16xf32, #tpu.memory_space<vmem>> -> memref<1x128x16xf32, #tpu.memory_space<vmem>>
      %dma_start3A_60 = tpu.memref_squeeze %dma_start3A_59 : memref<1x128x16xf32, #tpu.memory_space<vmem>> -> memref<128x16xf32, #tpu.memory_space<vmem>>
      %dma_start3A_61 = arith.constant 0 : i32
      %dma_start3A_62 = tpu.memref_slice %arg8[%scan3A_44, %dma_start3A_56, %dma_start3A_61] : memref<80x1x128xi32, #tpu.memory_space<vmem>> -> memref<1x1x128xi32, #tpu.memory_space<vmem>>
      %dma_start3A_63 = tpu.memref_squeeze %dma_start3A_62 : memref<1x1x128xi32, #tpu.memory_space<vmem>> -> memref<128xi32, #tpu.memory_space<vmem>>
      %dma_start3A_64 = arith.constant 0 : i32
      %dma_start3A_65 = arith.constant 0 : i32
      %dma_start3A_66 = tpu.memref_slice %arg11[%dma_start3A_64, %dma_start3A_65] : memref<10240x16xf32, #tpu.memory_space<vmem_shared>> -> memref<10240x16xf32, #tpu.memory_space<vmem_shared>>
      tpu.enqueue_indirect_dma source(%dma_start3A_60 : memref<128x16xf32, #tpu.memory_space<vmem>>) target(%dma_start3A_66 : memref<10240x16xf32, #tpu.memory_space<vmem_shared>>) offsets(%dma_start3A_63 : memref<128xi32, #tpu.memory_space<vmem>>) semaphore(%arg13 : memref<!tpu.dma_semaphore, #tpu.memory_space<semaphore_mem>>) {add = true}
      %ge3A = arith.constant 1 : i32
      %ge3A_67 = arith.cmpi sge, %scan3A_44, %ge3A : i32
      %convert_element_type3A = arith.extui %ge3A_67 : i1 to i32
      %cond3A = arith.constant 0 : i32
      %cond3A_68 = arith.cmpi ne, %convert_element_type3A, %cond3A : i32
      scf.if %cond3A_68 {
        %dma_wait3A_73 = arith.constant 0 : i32
        %dma_wait3A_74 = arith.constant 0 : i32
        %dma_wait3A_75 = arith.constant 0 : i32
        %dma_wait3A_76 = tpu.memref_slice %arg9[%rem3A_45, %dma_wait3A_74, %dma_wait3A_75] : memref<3x128x16xf32, #tpu.memory_space<vmem>> -> memref<1x128x16xf32, #tpu.memory_space<vmem>>
        %dma_wait3A_77 = tpu.memref_squeeze %dma_wait3A_76 : memref<1x128x16xf32, #tpu.memory_space<vmem>> -> memref<128x16xf32, #tpu.memory_space<vmem>>
        %dma_wait3A_78 = arith.constant 0 : i32
        %dma_wait3A_79 = tpu.memref_slice %arg8[%scan3A_44, %dma_wait3A_73, %dma_wait3A_78] : memref<80x1x128xi32, #tpu.memory_space<vmem>> -> memref<1x1x128xi32, #tpu.memory_space<vmem>>
        %dma_wait3A_80 = tpu.memref_squeeze %dma_wait3A_79 : memref<1x1x128xi32, #tpu.memory_space<vmem>> -> memref<128xi32, #tpu.memory_space<vmem>>
        %dma_wait3A_81 = arith.constant 0 : i32
        %dma_wait3A_82 = arith.constant 0 : i32
        %dma_wait3A_83 = tpu.memref_slice %arg11[%dma_wait3A_81, %dma_wait3A_82] : memref<10240x16xf32, #tpu.memory_space<vmem_shared>> -> memref<10240x16xf32, #tpu.memory_space<vmem_shared>>
        tpu.wait_indirect_dma semaphore(%arg13 : memref<!tpu.dma_semaphore, #tpu.memory_space<semaphore_mem>>) src(%dma_wait3A_77 : memref<128x16xf32, #tpu.memory_space<vmem>>) dst(%dma_wait3A_83 : memref<10240x16xf32, #tpu.memory_space<vmem_shared>>)
      } else {
      }
      %lt3A = arith.constant 78 : i32
      %lt3A_69 = arith.cmpi slt, %scan3A_44, %lt3A : i32
      %convert_element_type3A_70 = arith.extui %lt3A_69 : i1 to i32
      %cond3A_71 = arith.constant 0 : i32
      %cond3A_72 = arith.cmpi ne, %convert_element_type3A_70, %cond3A_71 : i32
      scf.if %cond3A_72 {
        %add3A_73 = arith.constant 2 : i32
        %add3A_74 = arith.addi %scan3A_44, %add3A_73 : i32
        %add3A_75 = arith.constant 2 : i32
        %add3A_76 = arith.addi %scan3A_44, %add3A_75 : i32
        %rem3A_77 = arith.constant 3 : i32
        %rem3A_78 = arith.remsi %add3A_76, %rem3A_77 : i32
        %dma_start3A_79 = arith.constant 0 : i32
        %dma_start3A_80 = arith.constant 0 : i32
        %dma_start3A_81 = tpu.memref_slice %arg9[%rem3A_78, %dma_start3A_79, %dma_start3A_80] : memref<3x128x16xf32, #tpu.memory_space<vmem>> -> memref<1x128x16xf32, #tpu.memory_space<vmem>>
        %dma_start3A_82 = tpu.memref_squeeze %dma_start3A_81 : memref<1x128x16xf32, #tpu.memory_space<vmem>> -> memref<128x16xf32, #tpu.memory_space<vmem>>
        %dma_start3A_83 = arith.constant 0 : i32
        %dma_start3A_84 = tpu.memref_slice %arg7[%add3A_74, %dma_start3A_83] : memref<80x128xi32, #tpu.memory_space<vmem>> -> memref<1x128xi32, #tpu.memory_space<vmem>>
        %dma_start3A_85 = tpu.memref_squeeze %dma_start3A_84 : memref<1x128xi32, #tpu.memory_space<vmem>> -> memref<128xi32, #tpu.memory_space<vmem>>
        %dma_start3A_86 = arith.constant 0 : i32
        %dma_start3A_87 = arith.constant 0 : i32
        %dma_start3A_88 = tpu.memref_slice %arg10[%dma_start3A_86, %dma_start3A_87] : memref<10240x16xf32, #tpu.memory_space<vmem_shared>> -> memref<10240x16xf32, #tpu.memory_space<vmem_shared>>
        tpu.enqueue_indirect_dma source(%dma_start3A_88 : memref<10240x16xf32, #tpu.memory_space<vmem_shared>>) target(%dma_start3A_82 : memref<128x16xf32, #tpu.memory_space<vmem>>) offsets(%dma_start3A_85 : memref<128xi32, #tpu.memory_space<vmem>>) semaphore(%arg12 : memref<!tpu.dma_semaphore, #tpu.memory_space<semaphore_mem>>)
      } else {
      }
    }
    %scan3A_30 = arith.constant 80 : i32
    %dma_wait3A = arith.constant 0 : i32
    %dma_wait3A_31 = arith.constant 0 : i32
    %dma_wait3A_32 = arith.constant 0 : i32
    %dma_wait3A_33 = arith.constant 0 : i32
    %dma_wait3A_34 = arith.constant 0 : i32
    %dma_wait3A_35 = tpu.memref_slice %arg9[%dma_wait3A, %dma_wait3A_33, %dma_wait3A_34] : memref<3x128x16xf32, #tpu.memory_space<vmem>> -> memref<1x128x16xf32, #tpu.memory_space<vmem>>
    %dma_wait3A_36 = tpu.memref_squeeze %dma_wait3A_35 : memref<1x128x16xf32, #tpu.memory_space<vmem>> -> memref<128x16xf32, #tpu.memory_space<vmem>>
    %dma_wait3A_37 = arith.constant 0 : i32
    %dma_wait3A_38 = tpu.memref_slice %arg8[%dma_wait3A_31, %dma_wait3A_32, %dma_wait3A_37] : memref<80x1x128xi32, #tpu.memory_space<vmem>> -> memref<1x1x128xi32, #tpu.memory_space<vmem>>
    %dma_wait3A_39 = tpu.memref_squeeze %dma_wait3A_38 : memref<1x1x128xi32, #tpu.memory_space<vmem>> -> memref<128xi32, #tpu.memory_space<vmem>>
    %dma_wait3A_40 = arith.constant 0 : i32
    %dma_wait3A_41 = arith.constant 0 : i32
    %dma_wait3A_42 = tpu.memref_slice %arg11[%dma_wait3A_40, %dma_wait3A_41] : memref<10240x16xf32, #tpu.memory_space<vmem_shared>> -> memref<10240x16xf32, #tpu.memory_space<vmem_shared>>
    tpu.wait_indirect_dma semaphore(%arg13 : memref<!tpu.dma_semaphore, #tpu.memory_space<semaphore_mem>>) src(%dma_wait3A_36 : memref<128x16xf32, #tpu.memory_space<vmem>>) dst(%dma_wait3A_42 : memref<10240x16xf32, #tpu.memory_space<vmem_shared>>)
    %barrier3A_43 = arith.constant 0 : index
    tpu.barrier barrier_id(%barrier3A_43)
    "tpu.region"() ({
      %run_scoped3A = tpu.sem_alloc : memref<!tpu.dma_semaphore, #tpu.memory_space<semaphore_mem>>
      %dma_start3A_44 = arith.constant 0 : i32
      %dma_start3A_45 = tpu.memref_slice %arg6[%arg0, %mul3A_2, %dma_start3A_44] : memref<2x10240x16xf32, #tpu.memory_space<hbm>> -> memref<1x640x16xf32, #tpu.memory_space<hbm>>
      %dma_start3A_46 = tpu.memref_squeeze %dma_start3A_45 : memref<1x640x16xf32, #tpu.memory_space<hbm>> -> memref<640x16xf32, #tpu.memory_space<hbm>>
      %dma_start3A_47 = arith.constant 0 : i32
      %dma_start3A_48 = tpu.memref_slice %arg11[%mul3A_2, %dma_start3A_47] : memref<10240x16xf32, #tpu.memory_space<vmem_shared>> -> memref<640x16xf32, #tpu.memory_space<vmem_shared>>
      tpu.enqueue_dma source(%dma_start3A_48 : memref<640x16xf32, #tpu.memory_space<vmem_shared>>) target(%dma_start3A_46 : memref<640x16xf32, #tpu.memory_space<hbm>>) target_semaphore(%run_scoped3A : memref<!tpu.dma_semaphore, #tpu.memory_space<semaphore_mem>>)
      %dma_wait3A_49 = arith.constant 0 : i32
      %dma_wait3A_50 = tpu.memref_slice %arg6[%arg0, %mul3A_2, %dma_wait3A_49] : memref<2x10240x16xf32, #tpu.memory_space<hbm>> -> memref<1x640x16xf32, #tpu.memory_space<hbm>>
      %dma_wait3A_51 = tpu.memref_squeeze %dma_wait3A_50 : memref<1x640x16xf32, #tpu.memory_space<hbm>> -> memref<640x16xf32, #tpu.memory_space<hbm>>
      %dma_wait3A_52 = arith.constant 0 : i32
      %dma_wait3A_53 = tpu.memref_slice %arg11[%mul3A_2, %dma_wait3A_52] : memref<10240x16xf32, #tpu.memory_space<vmem_shared>> -> memref<640x16xf32, #tpu.memory_space<vmem_shared>>
      tpu.wait_dma2 semaphore(%run_scoped3A : memref<!tpu.dma_semaphore, #tpu.memory_space<semaphore_mem>>) src(%dma_wait3A_53 : memref<640x16xf32, #tpu.memory_space<vmem_shared>>) dst(%dma_wait3A_51 : memref<640x16xf32, #tpu.memory_space<hbm>>)
      tpu.yield
    }) : () -> ()
    return
  }
}

#map = affine_map<(d0, d1) -> (0, 0)>
#map1 = affine_map<(d0, d1) -> (0, 0, 0, 0)>
#map2 = affine_map<(d0, d1) -> (0, 0, 0)>
module attributes {stable_mosaic.version = 14 : i64} {
  func.func @sc_deg(%arg0: i32, %arg1: i32, %arg2: memref<128x16xf32, #tpu.memory_space<hbm>>, %arg3: memref<32x80x1x128xi32, #tpu.memory_space<hbm>>, %arg4: memref<640x16xf32, #tpu.memory_space<hbm>>, %arg5: memref<2x10240x16xf32, #tpu.memory_space<hbm>>, %arg6: memref<80x1x128xi32, #tpu.memory_space<vmem>>, %arg7: memref<128x16xf32, #tpu.memory_space<vmem>>, %arg8: memref<10240x16xf32, #tpu.memory_space<vmem_shared>>, %arg9: memref<!tpu.dma_semaphore, #tpu.memory_space<semaphore_mem>>) attributes {dimension_semantics = [#tpu.dimension_semantics<core_parallel>, #tpu.dimension_semantics<subcore_parallel>], iteration_bounds = array<i64: 2, 16>, scalar_prefetch = 0 : i64, scratch_operands = 4 : i64, tpu.core_type = #tpu.core_type<sc_vector_subcore>, window_params = [{transform_indices = #map}, {transform_indices = #map1}, {transform_indices = #map}, {transform_indices = #map2}]} {
    %mul3A = arith.constant 2 : i32
    %mul3A_0 = arith.muli %arg1, %mul3A : i32
    %add3A = arith.addi %mul3A_0, %arg0 : i32
    %mul3A_1 = arith.constant 640 : i32
    %mul3A_2 = arith.muli %arg1, %mul3A_1 : i32
    "tpu.region"() ({
      %run_scoped3A = tpu.sem_alloc : memref<!tpu.dma_semaphore, #tpu.memory_space<semaphore_mem>>
      %dma_start3A = arith.constant 0 : i32
      %dma_start3A_32 = tpu.memref_slice %arg8[%mul3A_2, %dma_start3A] : memref<10240x16xf32, #tpu.memory_space<vmem_shared>> -> memref<640x16xf32, #tpu.memory_space<vmem_shared>>
      tpu.enqueue_dma source(%arg4 : memref<640x16xf32, #tpu.memory_space<hbm>>) target(%dma_start3A_32 : memref<640x16xf32, #tpu.memory_space<vmem_shared>>) target_semaphore(%run_scoped3A : memref<!tpu.dma_semaphore, #tpu.memory_space<semaphore_mem>>)
      %dma_wait3A_33 = arith.constant 0 : i32
      %dma_wait3A_34 = tpu.memref_slice %arg8[%mul3A_2, %dma_wait3A_33] : memref<10240x16xf32, #tpu.memory_space<vmem_shared>> -> memref<640x16xf32, #tpu.memory_space<vmem_shared>>
      tpu.wait_dma2 semaphore(%run_scoped3A : memref<!tpu.dma_semaphore, #tpu.memory_space<semaphore_mem>>) src(%arg4 : memref<640x16xf32, #tpu.memory_space<hbm>>) dst(%dma_wait3A_34 : memref<640x16xf32, #tpu.memory_space<vmem_shared>>)
      tpu.yield
    }) : () -> ()
    "tpu.region"() ({
      %run_scoped3A = tpu.sem_alloc : memref<!tpu.dma_semaphore, #tpu.memory_space<semaphore_mem>>
      tpu.enqueue_dma source(%arg2 : memref<128x16xf32, #tpu.memory_space<hbm>>) target(%arg7 : memref<128x16xf32, #tpu.memory_space<vmem>>) target_semaphore(%run_scoped3A : memref<!tpu.dma_semaphore, #tpu.memory_space<semaphore_mem>>)
      tpu.wait_dma2 semaphore(%run_scoped3A : memref<!tpu.dma_semaphore, #tpu.memory_space<semaphore_mem>>) src(%arg2 : memref<128x16xf32, #tpu.memory_space<hbm>>) dst(%arg7 : memref<128x16xf32, #tpu.memory_space<vmem>>)
      tpu.yield
    }) : () -> ()
    "tpu.region"() ({
      %run_scoped3A = tpu.sem_alloc : memref<!tpu.dma_semaphore, #tpu.memory_space<semaphore_mem>>
      %dma_start3A = arith.constant 0 : i32
      %dma_start3A_32 = arith.constant 0 : i32
      %dma_start3A_33 = arith.constant 0 : i32
      %dma_start3A_34 = tpu.memref_slice %arg3[%add3A, %dma_start3A, %dma_start3A_32, %dma_start3A_33] : memref<32x80x1x128xi32, #tpu.memory_space<hbm>> -> memref<1x80x1x128xi32, #tpu.memory_space<hbm>>
      %dma_start3A_35 = tpu.memref_squeeze %dma_start3A_34 : memref<1x80x1x128xi32, #tpu.memory_space<hbm>> -> memref<80x1x128xi32, #tpu.memory_space<hbm>>
      %dma_start3A_36 = arith.constant 0 : i32
      %dma_start3A_37 = arith.constant 0 : i32
      %dma_start3A_38 = arith.constant 0 : i32
      %dma_start3A_39 = tpu.memref_slice %arg3[%add3A, %dma_start3A_36, %dma_start3A_37, %dma_start3A_38] : memref<32x80x1x128xi32, #tpu.memory_space<hbm>> -> memref<1x80x1x128xi32, #tpu.memory_space<hbm>>
      %dma_start3A_40 = tpu.memref_squeeze %dma_start3A_39 : memref<1x80x1x128xi32, #tpu.memory_space<hbm>> -> memref<80x1x128xi32, #tpu.memory_space<hbm>>
      tpu.enqueue_dma source(%dma_start3A_40 : memref<80x1x128xi32, #tpu.memory_space<hbm>>) target(%arg6 : memref<80x1x128xi32, #tpu.memory_space<vmem>>) target_semaphore(%run_scoped3A : memref<!tpu.dma_semaphore, #tpu.memory_space<semaphore_mem>>)
      %dma_wait3A_41 = arith.constant 0 : i32
      %dma_wait3A_42 = arith.constant 0 : i32
      %dma_wait3A_43 = arith.constant 0 : i32
      %dma_wait3A_44 = tpu.memref_slice %arg3[%add3A, %dma_wait3A_41, %dma_wait3A_42, %dma_wait3A_43] : memref<32x80x1x128xi32, #tpu.memory_space<hbm>> -> memref<1x80x1x128xi32, #tpu.memory_space<hbm>>
      %dma_wait3A_45 = tpu.memref_squeeze %dma_wait3A_44 : memref<1x80x1x128xi32, #tpu.memory_space<hbm>> -> memref<80x1x128xi32, #tpu.memory_space<hbm>>
      %dma_wait3A_46 = arith.constant 0 : i32
      %dma_wait3A_47 = arith.constant 0 : i32
      %dma_wait3A_48 = arith.constant 0 : i32
      %dma_wait3A_49 = tpu.memref_slice %arg3[%add3A, %dma_wait3A_46, %dma_wait3A_47, %dma_wait3A_48] : memref<32x80x1x128xi32, #tpu.memory_space<hbm>> -> memref<1x80x1x128xi32, #tpu.memory_space<hbm>>
      %dma_wait3A_50 = tpu.memref_squeeze %dma_wait3A_49 : memref<1x80x1x128xi32, #tpu.memory_space<hbm>> -> memref<80x1x128xi32, #tpu.memory_space<hbm>>
      tpu.wait_dma2 semaphore(%run_scoped3A : memref<!tpu.dma_semaphore, #tpu.memory_space<semaphore_mem>>) src(%dma_wait3A_50 : memref<80x1x128xi32, #tpu.memory_space<hbm>>) dst(%arg6 : memref<80x1x128xi32, #tpu.memory_space<vmem>>)
      tpu.yield
    }) : () -> ()
    %barrier3A = arith.constant 0 : index
    tpu.barrier barrier_id(%barrier3A)
    %scan3A = arith.constant 0 : i32
    %scan3A_3 = arith.constant 0 : i32
    %scan3A_4 = arith.constant 80 : i32
    %scan3A_5 = arith.addi %scan3A_3, %scan3A_4 : i32
    %scan3A_6 = arith.constant 2 : i32
    scf.for %scan3A_32 = %scan3A_3 to %scan3A_5 step %scan3A_6  : i32 {
      %dma_start3A = arith.constant 0 : i32
      %dma_start3A_33 = arith.constant 0 : i32
      %dma_start3A_34 = tpu.memref_slice %arg6[%scan3A_32, %dma_start3A, %dma_start3A_33] : memref<80x1x128xi32, #tpu.memory_space<vmem>> -> memref<1x1x128xi32, #tpu.memory_space<vmem>>
      %dma_start3A_35 = tpu.memref_squeeze %dma_start3A_34 : memref<1x1x128xi32, #tpu.memory_space<vmem>> -> memref<128xi32, #tpu.memory_space<vmem>>
      %dma_start3A_36 = arith.constant 0 : i32
      %dma_start3A_37 = arith.constant 0 : i32
      %dma_start3A_38 = tpu.memref_slice %arg8[%dma_start3A_36, %dma_start3A_37] : memref<10240x16xf32, #tpu.memory_space<vmem_shared>> -> memref<10240x16xf32, #tpu.memory_space<vmem_shared>>
      tpu.enqueue_indirect_dma source(%arg7 : memref<128x16xf32, #tpu.memory_space<vmem>>) target(%dma_start3A_38 : memref<10240x16xf32, #tpu.memory_space<vmem_shared>>) offsets(%dma_start3A_35 : memref<128xi32, #tpu.memory_space<vmem>>) semaphore(%arg9 : memref<!tpu.dma_semaphore, #tpu.memory_space<semaphore_mem>>) {add = true}
      %ge3A = arith.constant 3 : i32
      %ge3A_39 = arith.cmpi sge, %scan3A_32, %ge3A : i32
      %convert_element_type3A = arith.extui %ge3A_39 : i1 to i32
      %cond3A = arith.constant 0 : i32
      %cond3A_40 = arith.cmpi ne, %convert_element_type3A, %cond3A : i32
      scf.if %cond3A_40 {
        %dma_wait3A_55 = arith.constant 0 : i32
        %dma_wait3A_56 = arith.constant 0 : i32
        %dma_wait3A_57 = tpu.memref_slice %arg6[%scan3A_32, %dma_wait3A_55, %dma_wait3A_56] : memref<80x1x128xi32, #tpu.memory_space<vmem>> -> memref<1x1x128xi32, #tpu.memory_space<vmem>>
        %dma_wait3A_58 = tpu.memref_squeeze %dma_wait3A_57 : memref<1x1x128xi32, #tpu.memory_space<vmem>> -> memref<128xi32, #tpu.memory_space<vmem>>
        %dma_wait3A_59 = arith.constant 0 : i32
        %dma_wait3A_60 = arith.constant 0 : i32
        %dma_wait3A_61 = tpu.memref_slice %arg8[%dma_wait3A_59, %dma_wait3A_60] : memref<10240x16xf32, #tpu.memory_space<vmem_shared>> -> memref<10240x16xf32, #tpu.memory_space<vmem_shared>>
        tpu.wait_indirect_dma semaphore(%arg9 : memref<!tpu.dma_semaphore, #tpu.memory_space<semaphore_mem>>) src(%arg7 : memref<128x16xf32, #tpu.memory_space<vmem>>) dst(%dma_wait3A_61 : memref<10240x16xf32, #tpu.memory_space<vmem_shared>>)
      } else {
      }
      %scan3A_41 = arith.constant 1 : i32
      %scan3A_42 = arith.addi %scan3A_32, %scan3A_41 : i32
      %dma_start3A_43 = arith.constant 0 : i32
      %dma_start3A_44 = arith.constant 0 : i32
      %dma_start3A_45 = tpu.memref_slice %arg6[%scan3A_42, %dma_start3A_43, %dma_start3A_44] : memref<80x1x128xi32, #tpu.memory_space<vmem>> -> memref<1x1x128xi32, #tpu.memory_space<vmem>>
      %dma_start3A_46 = tpu.memref_squeeze %dma_start3A_45 : memref<1x1x128xi32, #tpu.memory_space<vmem>> -> memref<128xi32, #tpu.memory_space<vmem>>
      %dma_start3A_47 = arith.constant 0 : i32
      %dma_start3A_48 = arith.constant 0 : i32
      %dma_start3A_49 = tpu.memref_slice %arg8[%dma_start3A_47, %dma_start3A_48] : memref<10240x16xf32, #tpu.memory_space<vmem_shared>> -> memref<10240x16xf32, #tpu.memory_space<vmem_shared>>
      tpu.enqueue_indirect_dma source(%arg7 : memref<128x16xf32, #tpu.memory_space<vmem>>) target(%dma_start3A_49 : memref<10240x16xf32, #tpu.memory_space<vmem_shared>>) offsets(%dma_start3A_46 : memref<128xi32, #tpu.memory_space<vmem>>) semaphore(%arg9 : memref<!tpu.dma_semaphore, #tpu.memory_space<semaphore_mem>>) {add = true}
      %ge3A_50 = arith.constant 3 : i32
      %ge3A_51 = arith.cmpi sge, %scan3A_42, %ge3A_50 : i32
      %convert_element_type3A_52 = arith.extui %ge3A_51 : i1 to i32
      %cond3A_53 = arith.constant 0 : i32
      %cond3A_54 = arith.cmpi ne, %convert_element_type3A_52, %cond3A_53 : i32
      scf.if %cond3A_54 {
        %dma_wait3A_55 = arith.constant 0 : i32
        %dma_wait3A_56 = arith.constant 0 : i32
        %dma_wait3A_57 = tpu.memref_slice %arg6[%scan3A_42, %dma_wait3A_55, %dma_wait3A_56] : memref<80x1x128xi32, #tpu.memory_space<vmem>> -> memref<1x1x128xi32, #tpu.memory_space<vmem>>
        %dma_wait3A_58 = tpu.memref_squeeze %dma_wait3A_57 : memref<1x1x128xi32, #tpu.memory_space<vmem>> -> memref<128xi32, #tpu.memory_space<vmem>>
        %dma_wait3A_59 = arith.constant 0 : i32
        %dma_wait3A_60 = arith.constant 0 : i32
        %dma_wait3A_61 = tpu.memref_slice %arg8[%dma_wait3A_59, %dma_wait3A_60] : memref<10240x16xf32, #tpu.memory_space<vmem_shared>> -> memref<10240x16xf32, #tpu.memory_space<vmem_shared>>
        tpu.wait_indirect_dma semaphore(%arg9 : memref<!tpu.dma_semaphore, #tpu.memory_space<semaphore_mem>>) src(%arg7 : memref<128x16xf32, #tpu.memory_space<vmem>>) dst(%dma_wait3A_61 : memref<10240x16xf32, #tpu.memory_space<vmem_shared>>)
      } else {
      }
    }
    %scan3A_7 = arith.constant 80 : i32
    %dma_wait3A = arith.constant 0 : i32
    %dma_wait3A_8 = arith.constant 0 : i32
    %dma_wait3A_9 = arith.constant 0 : i32
    %dma_wait3A_10 = tpu.memref_slice %arg6[%dma_wait3A, %dma_wait3A_8, %dma_wait3A_9] : memref<80x1x128xi32, #tpu.memory_space<vmem>> -> memref<1x1x128xi32, #tpu.memory_space<vmem>>
    %dma_wait3A_11 = tpu.memref_squeeze %dma_wait3A_10 : memref<1x1x128xi32, #tpu.memory_space<vmem>> -> memref<128xi32, #tpu.memory_space<vmem>>
    %dma_wait3A_12 = arith.constant 0 : i32
    %dma_wait3A_13 = arith.constant 0 : i32
    %dma_wait3A_14 = tpu.memref_slice %arg8[%dma_wait3A_12, %dma_wait3A_13] : memref<10240x16xf32, #tpu.memory_space<vmem_shared>> -> memref<10240x16xf32, #tpu.memory_space<vmem_shared>>
    tpu.wait_indirect_dma semaphore(%arg9 : memref<!tpu.dma_semaphore, #tpu.memory_space<semaphore_mem>>) src(%arg7 : memref<128x16xf32, #tpu.memory_space<vmem>>) dst(%dma_wait3A_14 : memref<10240x16xf32, #tpu.memory_space<vmem_shared>>)
    %dma_wait3A_15 = arith.constant 0 : i32
    %dma_wait3A_16 = arith.constant 0 : i32
    %dma_wait3A_17 = arith.constant 0 : i32
    %dma_wait3A_18 = tpu.memref_slice %arg6[%dma_wait3A_15, %dma_wait3A_16, %dma_wait3A_17] : memref<80x1x128xi32, #tpu.memory_space<vmem>> -> memref<1x1x128xi32, #tpu.memory_space<vmem>>
    %dma_wait3A_19 = tpu.memref_squeeze %dma_wait3A_18 : memref<1x1x128xi32, #tpu.memory_space<vmem>> -> memref<128xi32, #tpu.memory_space<vmem>>
    %dma_wait3A_20 = arith.constant 0 : i32
    %dma_wait3A_21 = arith.constant 0 : i32
    %dma_wait3A_22 = tpu.memref_slice %arg8[%dma_wait3A_20, %dma_wait3A_21] : memref<10240x16xf32, #tpu.memory_space<vmem_shared>> -> memref<10240x16xf32, #tpu.memory_space<vmem_shared>>
    tpu.wait_indirect_dma semaphore(%arg9 : memref<!tpu.dma_semaphore, #tpu.memory_space<semaphore_mem>>) src(%arg7 : memref<128x16xf32, #tpu.memory_space<vmem>>) dst(%dma_wait3A_22 : memref<10240x16xf32, #tpu.memory_space<vmem_shared>>)
    %dma_wait3A_23 = arith.constant 0 : i32
    %dma_wait3A_24 = arith.constant 0 : i32
    %dma_wait3A_25 = arith.constant 0 : i32
    %dma_wait3A_26 = tpu.memref_slice %arg6[%dma_wait3A_23, %dma_wait3A_24, %dma_wait3A_25] : memref<80x1x128xi32, #tpu.memory_space<vmem>> -> memref<1x1x128xi32, #tpu.memory_space<vmem>>
    %dma_wait3A_27 = tpu.memref_squeeze %dma_wait3A_26 : memref<1x1x128xi32, #tpu.memory_space<vmem>> -> memref<128xi32, #tpu.memory_space<vmem>>
    %dma_wait3A_28 = arith.constant 0 : i32
    %dma_wait3A_29 = arith.constant 0 : i32
    %dma_wait3A_30 = tpu.memref_slice %arg8[%dma_wait3A_28, %dma_wait3A_29] : memref<10240x16xf32, #tpu.memory_space<vmem_shared>> -> memref<10240x16xf32, #tpu.memory_space<vmem_shared>>
    tpu.wait_indirect_dma semaphore(%arg9 : memref<!tpu.dma_semaphore, #tpu.memory_space<semaphore_mem>>) src(%arg7 : memref<128x16xf32, #tpu.memory_space<vmem>>) dst(%dma_wait3A_30 : memref<10240x16xf32, #tpu.memory_space<vmem_shared>>)
    %barrier3A_31 = arith.constant 0 : index
    tpu.barrier barrier_id(%barrier3A_31)
    "tpu.region"() ({
      %run_scoped3A = tpu.sem_alloc : memref<!tpu.dma_semaphore, #tpu.memory_space<semaphore_mem>>
      %dma_start3A = arith.constant 0 : i32
      %dma_start3A_32 = tpu.memref_slice %arg5[%arg0, %mul3A_2, %dma_start3A] : memref<2x10240x16xf32, #tpu.memory_space<hbm>> -> memref<1x640x16xf32, #tpu.memory_space<hbm>>
      %dma_start3A_33 = tpu.memref_squeeze %dma_start3A_32 : memref<1x640x16xf32, #tpu.memory_space<hbm>> -> memref<640x16xf32, #tpu.memory_space<hbm>>
      %dma_start3A_34 = arith.constant 0 : i32
      %dma_start3A_35 = tpu.memref_slice %arg8[%mul3A_2, %dma_start3A_34] : memref<10240x16xf32, #tpu.memory_space<vmem_shared>> -> memref<640x16xf32, #tpu.memory_space<vmem_shared>>
      tpu.enqueue_dma source(%dma_start3A_35 : memref<640x16xf32, #tpu.memory_space<vmem_shared>>) target(%dma_start3A_33 : memref<640x16xf32, #tpu.memory_space<hbm>>) target_semaphore(%run_scoped3A : memref<!tpu.dma_semaphore, #tpu.memory_space<semaphore_mem>>)
      %dma_wait3A_36 = arith.constant 0 : i32
      %dma_wait3A_37 = tpu.memref_slice %arg5[%arg0, %mul3A_2, %dma_wait3A_36] : memref<2x10240x16xf32, #tpu.memory_space<hbm>> -> memref<1x640x16xf32, #tpu.memory_space<hbm>>
      %dma_wait3A_38 = tpu.memref_squeeze %dma_wait3A_37 : memref<1x640x16xf32, #tpu.memory_space<hbm>> -> memref<640x16xf32, #tpu.memory_space<hbm>>
      %dma_wait3A_39 = arith.constant 0 : i32
      %dma_wait3A_40 = tpu.memref_slice %arg8[%mul3A_2, %dma_wait3A_39] : memref<10240x16xf32, #tpu.memory_space<vmem_shared>> -> memref<640x16xf32, #tpu.memory_space<vmem_shared>>
      tpu.wait_dma2 semaphore(%run_scoped3A : memref<!tpu.dma_semaphore, #tpu.memory_space<semaphore_mem>>) src(%dma_wait3A_40 : memref<640x16xf32, #tpu.memory_space<vmem_shared>>) dst(%dma_wait3A_38 : memref<640x16xf32, #tpu.memory_space<hbm>>)
      tpu.yield
    }) : () -> ()
    return
  }
}

#map = affine_map<(d0, d1) -> (0, 0)>
#map1 = affine_map<(d0, d1) -> (0, 0, 0)>
#map2 = affine_map<(d0, d1) -> (0, 0, 0, 0)>
module attributes {stable_mosaic.version = 14 : i64} {
  func.func @sc_scatter(%arg0: i32, %arg1: i32, %arg2: memref<10240x64xf32, #tpu.memory_space<hbm>>, %arg3: memref<32x80x128xi32, #tpu.memory_space<hbm>>, %arg4: memref<32x80x1x128xi32, #tpu.memory_space<hbm>>, %arg5: memref<640x64xf32, #tpu.memory_space<hbm>>, %arg6: memref<2x10240x64xf32, #tpu.memory_space<hbm>>, %arg7: memref<80x128xi32, #tpu.memory_space<vmem>>, %arg8: memref<80x1x128xi32, #tpu.memory_space<vmem>>, %arg9: memref<3x128x64xf32, #tpu.memory_space<vmem>>, %arg10: memref<10240x64xf32, #tpu.memory_space<vmem_shared>>, %arg11: memref<10240x64xf32, #tpu.memory_space<vmem_shared>>, %arg12: memref<!tpu.dma_semaphore, #tpu.memory_space<semaphore_mem>>, %arg13: memref<!tpu.dma_semaphore, #tpu.memory_space<semaphore_mem>>) attributes {dimension_semantics = [#tpu.dimension_semantics<core_parallel>, #tpu.dimension_semantics<subcore_parallel>], iteration_bounds = array<i64: 2, 16>, scalar_prefetch = 0 : i64, scratch_operands = 7 : i64, tpu.core_type = #tpu.core_type<sc_vector_subcore>, window_params = [{transform_indices = #map}, {transform_indices = #map1}, {transform_indices = #map2}, {transform_indices = #map}, {transform_indices = #map1}]} {
    %mul3A = arith.constant 2 : i32
    %mul3A_0 = arith.muli %arg1, %mul3A : i32
    %add3A = arith.addi %mul3A_0, %arg0 : i32
    %mul3A_1 = arith.constant 640 : i32
    %mul3A_2 = arith.muli %arg1, %mul3A_1 : i32
    "tpu.region"() ({
      %run_scoped3A = tpu.sem_alloc : memref<!tpu.dma_semaphore, #tpu.memory_space<semaphore_mem>>
      %dma_start3A_44 = arith.constant 0 : i32
      %dma_start3A_45 = tpu.memref_slice %arg11[%mul3A_2, %dma_start3A_44] : memref<10240x64xf32, #tpu.memory_space<vmem_shared>> -> memref<640x64xf32, #tpu.memory_space<vmem_shared>>
      tpu.enqueue_dma source(%arg5 : memref<640x64xf32, #tpu.memory_space<hbm>>) target(%dma_start3A_45 : memref<640x64xf32, #tpu.memory_space<vmem_shared>>) target_semaphore(%run_scoped3A : memref<!tpu.dma_semaphore, #tpu.memory_space<semaphore_mem>>)
      %dma_wait3A_46 = arith.constant 0 : i32
      %dma_wait3A_47 = tpu.memref_slice %arg11[%mul3A_2, %dma_wait3A_46] : memref<10240x64xf32, #tpu.memory_space<vmem_shared>> -> memref<640x64xf32, #tpu.memory_space<vmem_shared>>
      tpu.wait_dma2 semaphore(%run_scoped3A : memref<!tpu.dma_semaphore, #tpu.memory_space<semaphore_mem>>) src(%arg5 : memref<640x64xf32, #tpu.memory_space<hbm>>) dst(%dma_wait3A_47 : memref<640x64xf32, #tpu.memory_space<vmem_shared>>)
      tpu.yield
    }) : () -> ()
    "tpu.region"() ({
      %run_scoped3A = tpu.sem_alloc : memref<!tpu.dma_semaphore, #tpu.memory_space<semaphore_mem>>
      %dma_start3A_44 = arith.constant 0 : i32
      %dma_start3A_45 = tpu.memref_slice %arg10[%mul3A_2, %dma_start3A_44] : memref<10240x64xf32, #tpu.memory_space<vmem_shared>> -> memref<640x64xf32, #tpu.memory_space<vmem_shared>>
      %dma_start3A_46 = arith.constant 0 : i32
      %dma_start3A_47 = tpu.memref_slice %arg2[%mul3A_2, %dma_start3A_46] : memref<10240x64xf32, #tpu.memory_space<hbm>> -> memref<640x64xf32, #tpu.memory_space<hbm>>
      tpu.enqueue_dma source(%dma_start3A_47 : memref<640x64xf32, #tpu.memory_space<hbm>>) target(%dma_start3A_45 : memref<640x64xf32, #tpu.memory_space<vmem_shared>>) target_semaphore(%run_scoped3A : memref<!tpu.dma_semaphore, #tpu.memory_space<semaphore_mem>>)
      %dma_wait3A_48 = arith.constant 0 : i32
      %dma_wait3A_49 = tpu.memref_slice %arg10[%mul3A_2, %dma_wait3A_48] : memref<10240x64xf32, #tpu.memory_space<vmem_shared>> -> memref<640x64xf32, #tpu.memory_space<vmem_shared>>
      %dma_wait3A_50 = arith.constant 0 : i32
      %dma_wait3A_51 = tpu.memref_slice %arg2[%mul3A_2, %dma_wait3A_50] : memref<10240x64xf32, #tpu.memory_space<hbm>> -> memref<640x64xf32, #tpu.memory_space<hbm>>
      tpu.wait_dma2 semaphore(%run_scoped3A : memref<!tpu.dma_semaphore, #tpu.memory_space<semaphore_mem>>) src(%dma_wait3A_51 : memref<640x64xf32, #tpu.memory_space<hbm>>) dst(%dma_wait3A_49 : memref<640x64xf32, #tpu.memory_space<vmem_shared>>)
      tpu.yield
    }) : () -> ()
    "tpu.region"() ({
      %run_scoped3A = tpu.sem_alloc : memref<!tpu.dma_semaphore, #tpu.memory_space<semaphore_mem>>
      %dma_start3A_44 = arith.constant 0 : i32
      %dma_start3A_45 = arith.constant 0 : i32
      %dma_start3A_46 = tpu.memref_slice %arg3[%add3A, %dma_start3A_44, %dma_start3A_45] : memref<32x80x128xi32, #tpu.memory_space<hbm>> -> memref<1x80x128xi32, #tpu.memory_space<hbm>>
      %dma_start3A_47 = tpu.memref_squeeze %dma_start3A_46 : memref<1x80x128xi32, #tpu.memory_space<hbm>> -> memref<80x128xi32, #tpu.memory_space<hbm>>
      %dma_start3A_48 = arith.constant 0 : i32
      %dma_start3A_49 = arith.constant 0 : i32
      %dma_start3A_50 = tpu.memref_slice %arg3[%add3A, %dma_start3A_48, %dma_start3A_49] : memref<32x80x128xi32, #tpu.memory_space<hbm>> -> memref<1x80x128xi32, #tpu.memory_space<hbm>>
      %dma_start3A_51 = tpu.memref_squeeze %dma_start3A_50 : memref<1x80x128xi32, #tpu.memory_space<hbm>> -> memref<80x128xi32, #tpu.memory_space<hbm>>
      tpu.enqueue_dma source(%dma_start3A_51 : memref<80x128xi32, #tpu.memory_space<hbm>>) target(%arg7 : memref<80x128xi32, #tpu.memory_space<vmem>>) target_semaphore(%run_scoped3A : memref<!tpu.dma_semaphore, #tpu.memory_space<semaphore_mem>>)
      %dma_wait3A_52 = arith.constant 0 : i32
      %dma_wait3A_53 = arith.constant 0 : i32
      %dma_wait3A_54 = tpu.memref_slice %arg3[%add3A, %dma_wait3A_52, %dma_wait3A_53] : memref<32x80x128xi32, #tpu.memory_space<hbm>> -> memref<1x80x128xi32, #tpu.memory_space<hbm>>
      %dma_wait3A_55 = tpu.memref_squeeze %dma_wait3A_54 : memref<1x80x128xi32, #tpu.memory_space<hbm>> -> memref<80x128xi32, #tpu.memory_space<hbm>>
      %dma_wait3A_56 = arith.constant 0 : i32
      %dma_wait3A_57 = arith.constant 0 : i32
      %dma_wait3A_58 = tpu.memref_slice %arg3[%add3A, %dma_wait3A_56, %dma_wait3A_57] : memref<32x80x128xi32, #tpu.memory_space<hbm>> -> memref<1x80x128xi32, #tpu.memory_space<hbm>>
      %dma_wait3A_59 = tpu.memref_squeeze %dma_wait3A_58 : memref<1x80x128xi32, #tpu.memory_space<hbm>> -> memref<80x128xi32, #tpu.memory_space<hbm>>
      tpu.wait_dma2 semaphore(%run_scoped3A : memref<!tpu.dma_semaphore, #tpu.memory_space<semaphore_mem>>) src(%dma_wait3A_59 : memref<80x128xi32, #tpu.memory_space<hbm>>) dst(%arg7 : memref<80x128xi32, #tpu.memory_space<vmem>>)
      tpu.yield
    }) : () -> ()
    "tpu.region"() ({
      %run_scoped3A = tpu.sem_alloc : memref<!tpu.dma_semaphore, #tpu.memory_space<semaphore_mem>>
      %dma_start3A_44 = arith.constant 0 : i32
      %dma_start3A_45 = arith.constant 0 : i32
      %dma_start3A_46 = arith.constant 0 : i32
      %dma_start3A_47 = tpu.memref_slice %arg4[%add3A, %dma_start3A_44, %dma_start3A_45, %dma_start3A_46] : memref<32x80x1x128xi32, #tpu.memory_space<hbm>> -> memref<1x80x1x128xi32, #tpu.memory_space<hbm>>
      %dma_start3A_48 = tpu.memref_squeeze %dma_start3A_47 : memref<1x80x1x128xi32, #tpu.memory_space<hbm>> -> memref<80x1x128xi32, #tpu.memory_space<hbm>>
      %dma_start3A_49 = arith.constant 0 : i32
      %dma_start3A_50 = arith.constant 0 : i32
      %dma_start3A_51 = arith.constant 0 : i32
      %dma_start3A_52 = tpu.memref_slice %arg4[%add3A, %dma_start3A_49, %dma_start3A_50, %dma_start3A_51] : memref<32x80x1x128xi32, #tpu.memory_space<hbm>> -> memref<1x80x1x128xi32, #tpu.memory_space<hbm>>
      %dma_start3A_53 = tpu.memref_squeeze %dma_start3A_52 : memref<1x80x1x128xi32, #tpu.memory_space<hbm>> -> memref<80x1x128xi32, #tpu.memory_space<hbm>>
      tpu.enqueue_dma source(%dma_start3A_53 : memref<80x1x128xi32, #tpu.memory_space<hbm>>) target(%arg8 : memref<80x1x128xi32, #tpu.memory_space<vmem>>) target_semaphore(%run_scoped3A : memref<!tpu.dma_semaphore, #tpu.memory_space<semaphore_mem>>)
      %dma_wait3A_54 = arith.constant 0 : i32
      %dma_wait3A_55 = arith.constant 0 : i32
      %dma_wait3A_56 = arith.constant 0 : i32
      %dma_wait3A_57 = tpu.memref_slice %arg4[%add3A, %dma_wait3A_54, %dma_wait3A_55, %dma_wait3A_56] : memref<32x80x1x128xi32, #tpu.memory_space<hbm>> -> memref<1x80x1x128xi32, #tpu.memory_space<hbm>>
      %dma_wait3A_58 = tpu.memref_squeeze %dma_wait3A_57 : memref<1x80x1x128xi32, #tpu.memory_space<hbm>> -> memref<80x1x128xi32, #tpu.memory_space<hbm>>
      %dma_wait3A_59 = arith.constant 0 : i32
      %dma_wait3A_60 = arith.constant 0 : i32
      %dma_wait3A_61 = arith.constant 0 : i32
      %dma_wait3A_62 = tpu.memref_slice %arg4[%add3A, %dma_wait3A_59, %dma_wait3A_60, %dma_wait3A_61] : memref<32x80x1x128xi32, #tpu.memory_space<hbm>> -> memref<1x80x1x128xi32, #tpu.memory_space<hbm>>
      %dma_wait3A_63 = tpu.memref_squeeze %dma_wait3A_62 : memref<1x80x1x128xi32, #tpu.memory_space<hbm>> -> memref<80x1x128xi32, #tpu.memory_space<hbm>>
      tpu.wait_dma2 semaphore(%run_scoped3A : memref<!tpu.dma_semaphore, #tpu.memory_space<semaphore_mem>>) src(%dma_wait3A_63 : memref<80x1x128xi32, #tpu.memory_space<hbm>>) dst(%arg8 : memref<80x1x128xi32, #tpu.memory_space<vmem>>)
      tpu.yield
    }) : () -> ()
    %barrier3A = arith.constant 0 : index
    tpu.barrier barrier_id(%barrier3A)
    %dma_start3A = arith.constant 0 : i32
    %dma_start3A_3 = arith.constant 0 : i32
    %dma_start3A_4 = arith.constant 0 : i32
    %dma_start3A_5 = arith.constant 0 : i32
    %dma_start3A_6 = tpu.memref_slice %arg9[%dma_start3A_3, %dma_start3A_4, %dma_start3A_5] : memref<3x128x64xf32, #tpu.memory_space<vmem>> -> memref<1x128x64xf32, #tpu.memory_space<vmem>>
    %dma_start3A_7 = tpu.memref_squeeze %dma_start3A_6 : memref<1x128x64xf32, #tpu.memory_space<vmem>> -> memref<128x64xf32, #tpu.memory_space<vmem>>
    %dma_start3A_8 = arith.constant 0 : i32
    %dma_start3A_9 = tpu.memref_slice %arg7[%dma_start3A, %dma_start3A_8] : memref<80x128xi32, #tpu.memory_space<vmem>> -> memref<1x128xi32, #tpu.memory_space<vmem>>
    %dma_start3A_10 = tpu.memref_squeeze %dma_start3A_9 : memref<1x128xi32, #tpu.memory_space<vmem>> -> memref<128xi32, #tpu.memory_space<vmem>>
    %dma_start3A_11 = arith.constant 0 : i32
    %dma_start3A_12 = arith.constant 0 : i32
    %dma_start3A_13 = tpu.memref_slice %arg10[%dma_start3A_11, %dma_start3A_12] : memref<10240x64xf32, #tpu.memory_space<vmem_shared>> -> memref<10240x64xf32, #tpu.memory_space<vmem_shared>>
    tpu.enqueue_indirect_dma source(%dma_start3A_13 : memref<10240x64xf32, #tpu.memory_space<vmem_shared>>) target(%dma_start3A_7 : memref<128x64xf32, #tpu.memory_space<vmem>>) offsets(%dma_start3A_10 : memref<128xi32, #tpu.memory_space<vmem>>) semaphore(%arg12 : memref<!tpu.dma_semaphore, #tpu.memory_space<semaphore_mem>>)
    %dma_start3A_14 = arith.constant 1 : i32
    %dma_start3A_15 = arith.constant 1 : i32
    %dma_start3A_16 = arith.constant 0 : i32
    %dma_start3A_17 = arith.constant 0 : i32
    %dma_start3A_18 = tpu.memref_slice %arg9[%dma_start3A_15, %dma_start3A_16, %dma_start3A_17] : memref<3x128x64xf32, #tpu.memory_space<vmem>> -> memref<1x128x64xf32, #tpu.memory_space<vmem>>
    %dma_start3A_19 = tpu.memref_squeeze %dma_start3A_18 : memref<1x128x64xf32, #tpu.memory_space<vmem>> -> memref<128x64xf32, #tpu.memory_space<vmem>>
    %dma_start3A_20 = arith.constant 0 : i32
    %dma_start3A_21 = tpu.memref_slice %arg7[%dma_start3A_14, %dma_start3A_20] : memref<80x128xi32, #tpu.memory_space<vmem>> -> memref<1x128xi32, #tpu.memory_space<vmem>>
    %dma_start3A_22 = tpu.memref_squeeze %dma_start3A_21 : memref<1x128xi32, #tpu.memory_space<vmem>> -> memref<128xi32, #tpu.memory_space<vmem>>
    %dma_start3A_23 = arith.constant 0 : i32
    %dma_start3A_24 = arith.constant 0 : i32
    %dma_start3A_25 = tpu.memref_slice %arg10[%dma_start3A_23, %dma_start3A_24] : memref<10240x64xf32, #tpu.memory_space<vmem_shared>> -> memref<10240x64xf32, #tpu.memory_space<vmem_shared>>
    tpu.enqueue_indirect_dma source(%dma_start3A_25 : memref<10240x64xf32, #tpu.memory_space<vmem_shared>>) target(%dma_start3A_19 : memref<128x64xf32, #tpu.memory_space<vmem>>) offsets(%dma_start3A_22 : memref<128xi32, #tpu.memory_space<vmem>>) semaphore(%arg12 : memref<!tpu.dma_semaphore, #tpu.memory_space<semaphore_mem>>)
    %scan3A = arith.constant 0 : i32
    %scan3A_26 = arith.constant 0 : i32
    %scan3A_27 = arith.constant 80 : i32
    %scan3A_28 = arith.addi %scan3A_26, %scan3A_27 : i32
    %scan3A_29 = arith.constant 1 : i32
    scf.for %scan3A_44 = %scan3A_26 to %scan3A_28 step %scan3A_29  : i32 {
      %rem3A = arith.constant 3 : i32
      %rem3A_45 = arith.remsi %scan3A_44, %rem3A : i32
      %dma_wait3A_46 = arith.constant 0 : i32
      %dma_wait3A_47 = arith.constant 0 : i32
      %dma_wait3A_48 = tpu.memref_slice %arg9[%rem3A_45, %dma_wait3A_46, %dma_wait3A_47] : memref<3x128x64xf32, #tpu.memory_space<vmem>> -> memref<1x128x64xf32, #tpu.memory_space<vmem>>
      %dma_wait3A_49 = tpu.memref_squeeze %dma_wait3A_48 : memref<1x128x64xf32, #tpu.memory_space<vmem>> -> memref<128x64xf32, #tpu.memory_space<vmem>>
      %dma_wait3A_50 = arith.constant 0 : i32
      %dma_wait3A_51 = tpu.memref_slice %arg7[%scan3A_44, %dma_wait3A_50] : memref<80x128xi32, #tpu.memory_space<vmem>> -> memref<1x128xi32, #tpu.memory_space<vmem>>
      %dma_wait3A_52 = tpu.memref_squeeze %dma_wait3A_51 : memref<1x128xi32, #tpu.memory_space<vmem>> -> memref<128xi32, #tpu.memory_space<vmem>>
      %dma_wait3A_53 = arith.constant 0 : i32
      %dma_wait3A_54 = arith.constant 0 : i32
      %dma_wait3A_55 = tpu.memref_slice %arg10[%dma_wait3A_53, %dma_wait3A_54] : memref<10240x64xf32, #tpu.memory_space<vmem_shared>> -> memref<10240x64xf32, #tpu.memory_space<vmem_shared>>
      tpu.wait_indirect_dma semaphore(%arg12 : memref<!tpu.dma_semaphore, #tpu.memory_space<semaphore_mem>>) src(%dma_wait3A_55 : memref<10240x64xf32, #tpu.memory_space<vmem_shared>>) dst(%dma_wait3A_49 : memref<128x64xf32, #tpu.memory_space<vmem>>)
      %dma_start3A_56 = arith.constant 0 : i32
      %dma_start3A_57 = arith.constant 0 : i32
      %dma_start3A_58 = arith.constant 0 : i32
      %dma_start3A_59 = tpu.memref_slice %arg9[%rem3A_45, %dma_start3A_57, %dma_start3A_58] : memref<3x128x64xf32, #tpu.memory_space<vmem>> -> memref<1x128x64xf32, #tpu.memory_space<vmem>>
      %dma_start3A_60 = tpu.memref_squeeze %dma_start3A_59 : memref<1x128x64xf32, #tpu.memory_space<vmem>> -> memref<128x64xf32, #tpu.memory_space<vmem>>
      %dma_start3A_61 = arith.constant 0 : i32
      %dma_start3A_62 = tpu.memref_slice %arg8[%scan3A_44, %dma_start3A_56, %dma_start3A_61] : memref<80x1x128xi32, #tpu.memory_space<vmem>> -> memref<1x1x128xi32, #tpu.memory_space<vmem>>
      %dma_start3A_63 = tpu.memref_squeeze %dma_start3A_62 : memref<1x1x128xi32, #tpu.memory_space<vmem>> -> memref<128xi32, #tpu.memory_space<vmem>>
      %dma_start3A_64 = arith.constant 0 : i32
      %dma_start3A_65 = arith.constant 0 : i32
      %dma_start3A_66 = tpu.memref_slice %arg11[%dma_start3A_64, %dma_start3A_65] : memref<10240x64xf32, #tpu.memory_space<vmem_shared>> -> memref<10240x64xf32, #tpu.memory_space<vmem_shared>>
      tpu.enqueue_indirect_dma source(%dma_start3A_60 : memref<128x64xf32, #tpu.memory_space<vmem>>) target(%dma_start3A_66 : memref<10240x64xf32, #tpu.memory_space<vmem_shared>>) offsets(%dma_start3A_63 : memref<128xi32, #tpu.memory_space<vmem>>) semaphore(%arg13 : memref<!tpu.dma_semaphore, #tpu.memory_space<semaphore_mem>>) {add = true}
      %ge3A = arith.constant 1 : i32
      %ge3A_67 = arith.cmpi sge, %scan3A_44, %ge3A : i32
      %convert_element_type3A = arith.extui %ge3A_67 : i1 to i32
      %cond3A = arith.constant 0 : i32
      %cond3A_68 = arith.cmpi ne, %convert_element_type3A, %cond3A : i32
      scf.if %cond3A_68 {
        %dma_wait3A_73 = arith.constant 0 : i32
        %dma_wait3A_74 = arith.constant 0 : i32
        %dma_wait3A_75 = arith.constant 0 : i32
        %dma_wait3A_76 = tpu.memref_slice %arg9[%rem3A_45, %dma_wait3A_74, %dma_wait3A_75] : memref<3x128x64xf32, #tpu.memory_space<vmem>> -> memref<1x128x64xf32, #tpu.memory_space<vmem>>
        %dma_wait3A_77 = tpu.memref_squeeze %dma_wait3A_76 : memref<1x128x64xf32, #tpu.memory_space<vmem>> -> memref<128x64xf32, #tpu.memory_space<vmem>>
        %dma_wait3A_78 = arith.constant 0 : i32
        %dma_wait3A_79 = tpu.memref_slice %arg8[%scan3A_44, %dma_wait3A_73, %dma_wait3A_78] : memref<80x1x128xi32, #tpu.memory_space<vmem>> -> memref<1x1x128xi32, #tpu.memory_space<vmem>>
        %dma_wait3A_80 = tpu.memref_squeeze %dma_wait3A_79 : memref<1x1x128xi32, #tpu.memory_space<vmem>> -> memref<128xi32, #tpu.memory_space<vmem>>
        %dma_wait3A_81 = arith.constant 0 : i32
        %dma_wait3A_82 = arith.constant 0 : i32
        %dma_wait3A_83 = tpu.memref_slice %arg11[%dma_wait3A_81, %dma_wait3A_82] : memref<10240x64xf32, #tpu.memory_space<vmem_shared>> -> memref<10240x64xf32, #tpu.memory_space<vmem_shared>>
        tpu.wait_indirect_dma semaphore(%arg13 : memref<!tpu.dma_semaphore, #tpu.memory_space<semaphore_mem>>) src(%dma_wait3A_77 : memref<128x64xf32, #tpu.memory_space<vmem>>) dst(%dma_wait3A_83 : memref<10240x64xf32, #tpu.memory_space<vmem_shared>>)
      } else {
      }
      %lt3A = arith.constant 78 : i32
      %lt3A_69 = arith.cmpi slt, %scan3A_44, %lt3A : i32
      %convert_element_type3A_70 = arith.extui %lt3A_69 : i1 to i32
      %cond3A_71 = arith.constant 0 : i32
      %cond3A_72 = arith.cmpi ne, %convert_element_type3A_70, %cond3A_71 : i32
      scf.if %cond3A_72 {
        %add3A_73 = arith.constant 2 : i32
        %add3A_74 = arith.addi %scan3A_44, %add3A_73 : i32
        %add3A_75 = arith.constant 2 : i32
        %add3A_76 = arith.addi %scan3A_44, %add3A_75 : i32
        %rem3A_77 = arith.constant 3 : i32
        %rem3A_78 = arith.remsi %add3A_76, %rem3A_77 : i32
        %dma_start3A_79 = arith.constant 0 : i32
        %dma_start3A_80 = arith.constant 0 : i32
        %dma_start3A_81 = tpu.memref_slice %arg9[%rem3A_78, %dma_start3A_79, %dma_start3A_80] : memref<3x128x64xf32, #tpu.memory_space<vmem>> -> memref<1x128x64xf32, #tpu.memory_space<vmem>>
        %dma_start3A_82 = tpu.memref_squeeze %dma_start3A_81 : memref<1x128x64xf32, #tpu.memory_space<vmem>> -> memref<128x64xf32, #tpu.memory_space<vmem>>
        %dma_start3A_83 = arith.constant 0 : i32
        %dma_start3A_84 = tpu.memref_slice %arg7[%add3A_74, %dma_start3A_83] : memref<80x128xi32, #tpu.memory_space<vmem>> -> memref<1x128xi32, #tpu.memory_space<vmem>>
        %dma_start3A_85 = tpu.memref_squeeze %dma_start3A_84 : memref<1x128xi32, #tpu.memory_space<vmem>> -> memref<128xi32, #tpu.memory_space<vmem>>
        %dma_start3A_86 = arith.constant 0 : i32
        %dma_start3A_87 = arith.constant 0 : i32
        %dma_start3A_88 = tpu.memref_slice %arg10[%dma_start3A_86, %dma_start3A_87] : memref<10240x64xf32, #tpu.memory_space<vmem_shared>> -> memref<10240x64xf32, #tpu.memory_space<vmem_shared>>
        tpu.enqueue_indirect_dma source(%dma_start3A_88 : memref<10240x64xf32, #tpu.memory_space<vmem_shared>>) target(%dma_start3A_82 : memref<128x64xf32, #tpu.memory_space<vmem>>) offsets(%dma_start3A_85 : memref<128xi32, #tpu.memory_space<vmem>>) semaphore(%arg12 : memref<!tpu.dma_semaphore, #tpu.memory_space<semaphore_mem>>)
      } else {
      }
    }
    %scan3A_30 = arith.constant 80 : i32
    %dma_wait3A = arith.constant 0 : i32
    %dma_wait3A_31 = arith.constant 0 : i32
    %dma_wait3A_32 = arith.constant 0 : i32
    %dma_wait3A_33 = arith.constant 0 : i32
    %dma_wait3A_34 = arith.constant 0 : i32
    %dma_wait3A_35 = tpu.memref_slice %arg9[%dma_wait3A, %dma_wait3A_33, %dma_wait3A_34] : memref<3x128x64xf32, #tpu.memory_space<vmem>> -> memref<1x128x64xf32, #tpu.memory_space<vmem>>
    %dma_wait3A_36 = tpu.memref_squeeze %dma_wait3A_35 : memref<1x128x64xf32, #tpu.memory_space<vmem>> -> memref<128x64xf32, #tpu.memory_space<vmem>>
    %dma_wait3A_37 = arith.constant 0 : i32
    %dma_wait3A_38 = tpu.memref_slice %arg8[%dma_wait3A_31, %dma_wait3A_32, %dma_wait3A_37] : memref<80x1x128xi32, #tpu.memory_space<vmem>> -> memref<1x1x128xi32, #tpu.memory_space<vmem>>
    %dma_wait3A_39 = tpu.memref_squeeze %dma_wait3A_38 : memref<1x1x128xi32, #tpu.memory_space<vmem>> -> memref<128xi32, #tpu.memory_space<vmem>>
    %dma_wait3A_40 = arith.constant 0 : i32
    %dma_wait3A_41 = arith.constant 0 : i32
    %dma_wait3A_42 = tpu.memref_slice %arg11[%dma_wait3A_40, %dma_wait3A_41] : memref<10240x64xf32, #tpu.memory_space<vmem_shared>> -> memref<10240x64xf32, #tpu.memory_space<vmem_shared>>
    tpu.wait_indirect_dma semaphore(%arg13 : memref<!tpu.dma_semaphore, #tpu.memory_space<semaphore_mem>>) src(%dma_wait3A_36 : memref<128x64xf32, #tpu.memory_space<vmem>>) dst(%dma_wait3A_42 : memref<10240x64xf32, #tpu.memory_space<vmem_shared>>)
    %barrier3A_43 = arith.constant 0 : index
    tpu.barrier barrier_id(%barrier3A_43)
    "tpu.region"() ({
      %run_scoped3A = tpu.sem_alloc : memref<!tpu.dma_semaphore, #tpu.memory_space<semaphore_mem>>
      %dma_start3A_44 = arith.constant 0 : i32
      %dma_start3A_45 = tpu.memref_slice %arg6[%arg0, %mul3A_2, %dma_start3A_44] : memref<2x10240x64xf32, #tpu.memory_space<hbm>> -> memref<1x640x64xf32, #tpu.memory_space<hbm>>
      %dma_start3A_46 = tpu.memref_squeeze %dma_start3A_45 : memref<1x640x64xf32, #tpu.memory_space<hbm>> -> memref<640x64xf32, #tpu.memory_space<hbm>>
      %dma_start3A_47 = arith.constant 0 : i32
      %dma_start3A_48 = tpu.memref_slice %arg11[%mul3A_2, %dma_start3A_47] : memref<10240x64xf32, #tpu.memory_space<vmem_shared>> -> memref<640x64xf32, #tpu.memory_space<vmem_shared>>
      tpu.enqueue_dma source(%dma_start3A_48 : memref<640x64xf32, #tpu.memory_space<vmem_shared>>) target(%dma_start3A_46 : memref<640x64xf32, #tpu.memory_space<hbm>>) target_semaphore(%run_scoped3A : memref<!tpu.dma_semaphore, #tpu.memory_space<semaphore_mem>>)
      %dma_wait3A_49 = arith.constant 0 : i32
      %dma_wait3A_50 = tpu.memref_slice %arg6[%arg0, %mul3A_2, %dma_wait3A_49] : memref<2x10240x64xf32, #tpu.memory_space<hbm>> -> memref<1x640x64xf32, #tpu.memory_space<hbm>>
      %dma_wait3A_51 = tpu.memref_squeeze %dma_wait3A_50 : memref<1x640x64xf32, #tpu.memory_space<hbm>> -> memref<640x64xf32, #tpu.memory_space<hbm>>
      %dma_wait3A_52 = arith.constant 0 : i32
      %dma_wait3A_53 = tpu.memref_slice %arg11[%mul3A_2, %dma_wait3A_52] : memref<10240x64xf32, #tpu.memory_space<vmem_shared>> -> memref<640x64xf32, #tpu.memory_space<vmem_shared>>
      tpu.wait_dma2 semaphore(%run_scoped3A : memref<!tpu.dma_semaphore, #tpu.memory_space<semaphore_mem>>) src(%dma_wait3A_53 : memref<640x64xf32, #tpu.memory_space<vmem_shared>>) dst(%dma_wait3A_51 : memref<640x64xf32, #tpu.memory_space<hbm>>)
      tpu.yield
    }) : () -> ()
    return
  }
}

#map = affine_map<(d0, d1) -> (0, 0)>
#map1 = affine_map<(d0, d1) -> (0, 0, 0)>
#map2 = affine_map<(d0, d1) -> (0, 0, 0, 0)>
module attributes {stable_mosaic.version = 14 : i64} {
  func.func @sc_scatter(%arg0: i32, %arg1: i32, %arg2: memref<10240x64xf32, #tpu.memory_space<hbm>>, %arg3: memref<32x80x128xi32, #tpu.memory_space<hbm>>, %arg4: memref<32x80x1x128xi32, #tpu.memory_space<hbm>>, %arg5: memref<640x64xf32, #tpu.memory_space<hbm>>, %arg6: memref<2x10240x64xf32, #tpu.memory_space<hbm>>, %arg7: memref<80x128xi32, #tpu.memory_space<vmem>>, %arg8: memref<80x1x128xi32, #tpu.memory_space<vmem>>, %arg9: memref<3x128x64xf32, #tpu.memory_space<vmem>>, %arg10: memref<10240x64xf32, #tpu.memory_space<vmem_shared>>, %arg11: memref<10240x64xf32, #tpu.memory_space<vmem_shared>>, %arg12: memref<!tpu.dma_semaphore, #tpu.memory_space<semaphore_mem>>, %arg13: memref<!tpu.dma_semaphore, #tpu.memory_space<semaphore_mem>>) attributes {dimension_semantics = [#tpu.dimension_semantics<core_parallel>, #tpu.dimension_semantics<subcore_parallel>], iteration_bounds = array<i64: 2, 16>, scalar_prefetch = 0 : i64, scratch_operands = 7 : i64, tpu.core_type = #tpu.core_type<sc_vector_subcore>, window_params = [{transform_indices = #map}, {transform_indices = #map1}, {transform_indices = #map2}, {transform_indices = #map}, {transform_indices = #map1}]} {
    %mul3A = arith.constant 2 : i32
    %mul3A_0 = arith.muli %arg1, %mul3A : i32
    %add3A = arith.addi %mul3A_0, %arg0 : i32
    %mul3A_1 = arith.constant 640 : i32
    %mul3A_2 = arith.muli %arg1, %mul3A_1 : i32
    "tpu.region"() ({
      %run_scoped3A = tpu.sem_alloc : memref<!tpu.dma_semaphore, #tpu.memory_space<semaphore_mem>>
      %dma_start3A_44 = arith.constant 0 : i32
      %dma_start3A_45 = tpu.memref_slice %arg11[%mul3A_2, %dma_start3A_44] : memref<10240x64xf32, #tpu.memory_space<vmem_shared>> -> memref<640x64xf32, #tpu.memory_space<vmem_shared>>
      tpu.enqueue_dma source(%arg5 : memref<640x64xf32, #tpu.memory_space<hbm>>) target(%dma_start3A_45 : memref<640x64xf32, #tpu.memory_space<vmem_shared>>) target_semaphore(%run_scoped3A : memref<!tpu.dma_semaphore, #tpu.memory_space<semaphore_mem>>)
      %dma_wait3A_46 = arith.constant 0 : i32
      %dma_wait3A_47 = tpu.memref_slice %arg11[%mul3A_2, %dma_wait3A_46] : memref<10240x64xf32, #tpu.memory_space<vmem_shared>> -> memref<640x64xf32, #tpu.memory_space<vmem_shared>>
      tpu.wait_dma2 semaphore(%run_scoped3A : memref<!tpu.dma_semaphore, #tpu.memory_space<semaphore_mem>>) src(%arg5 : memref<640x64xf32, #tpu.memory_space<hbm>>) dst(%dma_wait3A_47 : memref<640x64xf32, #tpu.memory_space<vmem_shared>>)
      tpu.yield
    }) : () -> ()
    "tpu.region"() ({
      %run_scoped3A = tpu.sem_alloc : memref<!tpu.dma_semaphore, #tpu.memory_space<semaphore_mem>>
      %dma_start3A_44 = arith.constant 0 : i32
      %dma_start3A_45 = tpu.memref_slice %arg10[%mul3A_2, %dma_start3A_44] : memref<10240x64xf32, #tpu.memory_space<vmem_shared>> -> memref<640x64xf32, #tpu.memory_space<vmem_shared>>
      %dma_start3A_46 = arith.constant 0 : i32
      %dma_start3A_47 = tpu.memref_slice %arg2[%mul3A_2, %dma_start3A_46] : memref<10240x64xf32, #tpu.memory_space<hbm>> -> memref<640x64xf32, #tpu.memory_space<hbm>>
      tpu.enqueue_dma source(%dma_start3A_47 : memref<640x64xf32, #tpu.memory_space<hbm>>) target(%dma_start3A_45 : memref<640x64xf32, #tpu.memory_space<vmem_shared>>) target_semaphore(%run_scoped3A : memref<!tpu.dma_semaphore, #tpu.memory_space<semaphore_mem>>)
      %dma_wait3A_48 = arith.constant 0 : i32
      %dma_wait3A_49 = tpu.memref_slice %arg10[%mul3A_2, %dma_wait3A_48] : memref<10240x64xf32, #tpu.memory_space<vmem_shared>> -> memref<640x64xf32, #tpu.memory_space<vmem_shared>>
      %dma_wait3A_50 = arith.constant 0 : i32
      %dma_wait3A_51 = tpu.memref_slice %arg2[%mul3A_2, %dma_wait3A_50] : memref<10240x64xf32, #tpu.memory_space<hbm>> -> memref<640x64xf32, #tpu.memory_space<hbm>>
      tpu.wait_dma2 semaphore(%run_scoped3A : memref<!tpu.dma_semaphore, #tpu.memory_space<semaphore_mem>>) src(%dma_wait3A_51 : memref<640x64xf32, #tpu.memory_space<hbm>>) dst(%dma_wait3A_49 : memref<640x64xf32, #tpu.memory_space<vmem_shared>>)
      tpu.yield
    }) : () -> ()
    "tpu.region"() ({
      %run_scoped3A = tpu.sem_alloc : memref<!tpu.dma_semaphore, #tpu.memory_space<semaphore_mem>>
      %dma_start3A_44 = arith.constant 0 : i32
      %dma_start3A_45 = arith.constant 0 : i32
      %dma_start3A_46 = tpu.memref_slice %arg3[%add3A, %dma_start3A_44, %dma_start3A_45] : memref<32x80x128xi32, #tpu.memory_space<hbm>> -> memref<1x80x128xi32, #tpu.memory_space<hbm>>
      %dma_start3A_47 = tpu.memref_squeeze %dma_start3A_46 : memref<1x80x128xi32, #tpu.memory_space<hbm>> -> memref<80x128xi32, #tpu.memory_space<hbm>>
      %dma_start3A_48 = arith.constant 0 : i32
      %dma_start3A_49 = arith.constant 0 : i32
      %dma_start3A_50 = tpu.memref_slice %arg3[%add3A, %dma_start3A_48, %dma_start3A_49] : memref<32x80x128xi32, #tpu.memory_space<hbm>> -> memref<1x80x128xi32, #tpu.memory_space<hbm>>
      %dma_start3A_51 = tpu.memref_squeeze %dma_start3A_50 : memref<1x80x128xi32, #tpu.memory_space<hbm>> -> memref<80x128xi32, #tpu.memory_space<hbm>>
      tpu.enqueue_dma source(%dma_start3A_51 : memref<80x128xi32, #tpu.memory_space<hbm>>) target(%arg7 : memref<80x128xi32, #tpu.memory_space<vmem>>) target_semaphore(%run_scoped3A : memref<!tpu.dma_semaphore, #tpu.memory_space<semaphore_mem>>)
      %dma_wait3A_52 = arith.constant 0 : i32
      %dma_wait3A_53 = arith.constant 0 : i32
      %dma_wait3A_54 = tpu.memref_slice %arg3[%add3A, %dma_wait3A_52, %dma_wait3A_53] : memref<32x80x128xi32, #tpu.memory_space<hbm>> -> memref<1x80x128xi32, #tpu.memory_space<hbm>>
      %dma_wait3A_55 = tpu.memref_squeeze %dma_wait3A_54 : memref<1x80x128xi32, #tpu.memory_space<hbm>> -> memref<80x128xi32, #tpu.memory_space<hbm>>
      %dma_wait3A_56 = arith.constant 0 : i32
      %dma_wait3A_57 = arith.constant 0 : i32
      %dma_wait3A_58 = tpu.memref_slice %arg3[%add3A, %dma_wait3A_56, %dma_wait3A_57] : memref<32x80x128xi32, #tpu.memory_space<hbm>> -> memref<1x80x128xi32, #tpu.memory_space<hbm>>
      %dma_wait3A_59 = tpu.memref_squeeze %dma_wait3A_58 : memref<1x80x128xi32, #tpu.memory_space<hbm>> -> memref<80x128xi32, #tpu.memory_space<hbm>>
      tpu.wait_dma2 semaphore(%run_scoped3A : memref<!tpu.dma_semaphore, #tpu.memory_space<semaphore_mem>>) src(%dma_wait3A_59 : memref<80x128xi32, #tpu.memory_space<hbm>>) dst(%arg7 : memref<80x128xi32, #tpu.memory_space<vmem>>)
      tpu.yield
    }) : () -> ()
    "tpu.region"() ({
      %run_scoped3A = tpu.sem_alloc : memref<!tpu.dma_semaphore, #tpu.memory_space<semaphore_mem>>
      %dma_start3A_44 = arith.constant 0 : i32
      %dma_start3A_45 = arith.constant 0 : i32
      %dma_start3A_46 = arith.constant 0 : i32
      %dma_start3A_47 = tpu.memref_slice %arg4[%add3A, %dma_start3A_44, %dma_start3A_45, %dma_start3A_46] : memref<32x80x1x128xi32, #tpu.memory_space<hbm>> -> memref<1x80x1x128xi32, #tpu.memory_space<hbm>>
      %dma_start3A_48 = tpu.memref_squeeze %dma_start3A_47 : memref<1x80x1x128xi32, #tpu.memory_space<hbm>> -> memref<80x1x128xi32, #tpu.memory_space<hbm>>
      %dma_start3A_49 = arith.constant 0 : i32
      %dma_start3A_50 = arith.constant 0 : i32
      %dma_start3A_51 = arith.constant 0 : i32
      %dma_start3A_52 = tpu.memref_slice %arg4[%add3A, %dma_start3A_49, %dma_start3A_50, %dma_start3A_51] : memref<32x80x1x128xi32, #tpu.memory_space<hbm>> -> memref<1x80x1x128xi32, #tpu.memory_space<hbm>>
      %dma_start3A_53 = tpu.memref_squeeze %dma_start3A_52 : memref<1x80x1x128xi32, #tpu.memory_space<hbm>> -> memref<80x1x128xi32, #tpu.memory_space<hbm>>
      tpu.enqueue_dma source(%dma_start3A_53 : memref<80x1x128xi32, #tpu.memory_space<hbm>>) target(%arg8 : memref<80x1x128xi32, #tpu.memory_space<vmem>>) target_semaphore(%run_scoped3A : memref<!tpu.dma_semaphore, #tpu.memory_space<semaphore_mem>>)
      %dma_wait3A_54 = arith.constant 0 : i32
      %dma_wait3A_55 = arith.constant 0 : i32
      %dma_wait3A_56 = arith.constant 0 : i32
      %dma_wait3A_57 = tpu.memref_slice %arg4[%add3A, %dma_wait3A_54, %dma_wait3A_55, %dma_wait3A_56] : memref<32x80x1x128xi32, #tpu.memory_space<hbm>> -> memref<1x80x1x128xi32, #tpu.memory_space<hbm>>
      %dma_wait3A_58 = tpu.memref_squeeze %dma_wait3A_57 : memref<1x80x1x128xi32, #tpu.memory_space<hbm>> -> memref<80x1x128xi32, #tpu.memory_space<hbm>>
      %dma_wait3A_59 = arith.constant 0 : i32
      %dma_wait3A_60 = arith.constant 0 : i32
      %dma_wait3A_61 = arith.constant 0 : i32
      %dma_wait3A_62 = tpu.memref_slice %arg4[%add3A, %dma_wait3A_59, %dma_wait3A_60, %dma_wait3A_61] : memref<32x80x1x128xi32, #tpu.memory_space<hbm>> -> memref<1x80x1x128xi32, #tpu.memory_space<hbm>>
      %dma_wait3A_63 = tpu.memref_squeeze %dma_wait3A_62 : memref<1x80x1x128xi32, #tpu.memory_space<hbm>> -> memref<80x1x128xi32, #tpu.memory_space<hbm>>
      tpu.wait_dma2 semaphore(%run_scoped3A : memref<!tpu.dma_semaphore, #tpu.memory_space<semaphore_mem>>) src(%dma_wait3A_63 : memref<80x1x128xi32, #tpu.memory_space<hbm>>) dst(%arg8 : memref<80x1x128xi32, #tpu.memory_space<vmem>>)
      tpu.yield
    }) : () -> ()
    %barrier3A = arith.constant 0 : index
    tpu.barrier barrier_id(%barrier3A)
    %dma_start3A = arith.constant 0 : i32
    %dma_start3A_3 = arith.constant 0 : i32
    %dma_start3A_4 = arith.constant 0 : i32
    %dma_start3A_5 = arith.constant 0 : i32
    %dma_start3A_6 = tpu.memref_slice %arg9[%dma_start3A_3, %dma_start3A_4, %dma_start3A_5] : memref<3x128x64xf32, #tpu.memory_space<vmem>> -> memref<1x128x64xf32, #tpu.memory_space<vmem>>
    %dma_start3A_7 = tpu.memref_squeeze %dma_start3A_6 : memref<1x128x64xf32, #tpu.memory_space<vmem>> -> memref<128x64xf32, #tpu.memory_space<vmem>>
    %dma_start3A_8 = arith.constant 0 : i32
    %dma_start3A_9 = tpu.memref_slice %arg7[%dma_start3A, %dma_start3A_8] : memref<80x128xi32, #tpu.memory_space<vmem>> -> memref<1x128xi32, #tpu.memory_space<vmem>>
    %dma_start3A_10 = tpu.memref_squeeze %dma_start3A_9 : memref<1x128xi32, #tpu.memory_space<vmem>> -> memref<128xi32, #tpu.memory_space<vmem>>
    %dma_start3A_11 = arith.constant 0 : i32
    %dma_start3A_12 = arith.constant 0 : i32
    %dma_start3A_13 = tpu.memref_slice %arg10[%dma_start3A_11, %dma_start3A_12] : memref<10240x64xf32, #tpu.memory_space<vmem_shared>> -> memref<10240x64xf32, #tpu.memory_space<vmem_shared>>
    tpu.enqueue_indirect_dma source(%dma_start3A_13 : memref<10240x64xf32, #tpu.memory_space<vmem_shared>>) target(%dma_start3A_7 : memref<128x64xf32, #tpu.memory_space<vmem>>) offsets(%dma_start3A_10 : memref<128xi32, #tpu.memory_space<vmem>>) semaphore(%arg12 : memref<!tpu.dma_semaphore, #tpu.memory_space<semaphore_mem>>)
    %dma_start3A_14 = arith.constant 1 : i32
    %dma_start3A_15 = arith.constant 1 : i32
    %dma_start3A_16 = arith.constant 0 : i32
    %dma_start3A_17 = arith.constant 0 : i32
    %dma_start3A_18 = tpu.memref_slice %arg9[%dma_start3A_15, %dma_start3A_16, %dma_start3A_17] : memref<3x128x64xf32, #tpu.memory_space<vmem>> -> memref<1x128x64xf32, #tpu.memory_space<vmem>>
    %dma_start3A_19 = tpu.memref_squeeze %dma_start3A_18 : memref<1x128x64xf32, #tpu.memory_space<vmem>> -> memref<128x64xf32, #tpu.memory_space<vmem>>
    %dma_start3A_20 = arith.constant 0 : i32
    %dma_start3A_21 = tpu.memref_slice %arg7[%dma_start3A_14, %dma_start3A_20] : memref<80x128xi32, #tpu.memory_space<vmem>> -> memref<1x128xi32, #tpu.memory_space<vmem>>
    %dma_start3A_22 = tpu.memref_squeeze %dma_start3A_21 : memref<1x128xi32, #tpu.memory_space<vmem>> -> memref<128xi32, #tpu.memory_space<vmem>>
    %dma_start3A_23 = arith.constant 0 : i32
    %dma_start3A_24 = arith.constant 0 : i32
    %dma_start3A_25 = tpu.memref_slice %arg10[%dma_start3A_23, %dma_start3A_24] : memref<10240x64xf32, #tpu.memory_space<vmem_shared>> -> memref<10240x64xf32, #tpu.memory_space<vmem_shared>>
    tpu.enqueue_indirect_dma source(%dma_start3A_25 : memref<10240x64xf32, #tpu.memory_space<vmem_shared>>) target(%dma_start3A_19 : memref<128x64xf32, #tpu.memory_space<vmem>>) offsets(%dma_start3A_22 : memref<128xi32, #tpu.memory_space<vmem>>) semaphore(%arg12 : memref<!tpu.dma_semaphore, #tpu.memory_space<semaphore_mem>>)
    %scan3A = arith.constant 0 : i32
    %scan3A_26 = arith.constant 0 : i32
    %scan3A_27 = arith.constant 80 : i32
    %scan3A_28 = arith.addi %scan3A_26, %scan3A_27 : i32
    %scan3A_29 = arith.constant 1 : i32
    scf.for %scan3A_44 = %scan3A_26 to %scan3A_28 step %scan3A_29  : i32 {
      %rem3A = arith.constant 3 : i32
      %rem3A_45 = arith.remsi %scan3A_44, %rem3A : i32
      %dma_wait3A_46 = arith.constant 0 : i32
      %dma_wait3A_47 = arith.constant 0 : i32
      %dma_wait3A_48 = tpu.memref_slice %arg9[%rem3A_45, %dma_wait3A_46, %dma_wait3A_47] : memref<3x128x64xf32, #tpu.memory_space<vmem>> -> memref<1x128x64xf32, #tpu.memory_space<vmem>>
      %dma_wait3A_49 = tpu.memref_squeeze %dma_wait3A_48 : memref<1x128x64xf32, #tpu.memory_space<vmem>> -> memref<128x64xf32, #tpu.memory_space<vmem>>
      %dma_wait3A_50 = arith.constant 0 : i32
      %dma_wait3A_51 = tpu.memref_slice %arg7[%scan3A_44, %dma_wait3A_50] : memref<80x128xi32, #tpu.memory_space<vmem>> -> memref<1x128xi32, #tpu.memory_space<vmem>>
      %dma_wait3A_52 = tpu.memref_squeeze %dma_wait3A_51 : memref<1x128xi32, #tpu.memory_space<vmem>> -> memref<128xi32, #tpu.memory_space<vmem>>
      %dma_wait3A_53 = arith.constant 0 : i32
      %dma_wait3A_54 = arith.constant 0 : i32
      %dma_wait3A_55 = tpu.memref_slice %arg10[%dma_wait3A_53, %dma_wait3A_54] : memref<10240x64xf32, #tpu.memory_space<vmem_shared>> -> memref<10240x64xf32, #tpu.memory_space<vmem_shared>>
      tpu.wait_indirect_dma semaphore(%arg12 : memref<!tpu.dma_semaphore, #tpu.memory_space<semaphore_mem>>) src(%dma_wait3A_55 : memref<10240x64xf32, #tpu.memory_space<vmem_shared>>) dst(%dma_wait3A_49 : memref<128x64xf32, #tpu.memory_space<vmem>>)
      %dma_start3A_56 = arith.constant 0 : i32
      %dma_start3A_57 = arith.constant 0 : i32
      %dma_start3A_58 = arith.constant 0 : i32
      %dma_start3A_59 = tpu.memref_slice %arg9[%rem3A_45, %dma_start3A_57, %dma_start3A_58] : memref<3x128x64xf32, #tpu.memory_space<vmem>> -> memref<1x128x64xf32, #tpu.memory_space<vmem>>
      %dma_start3A_60 = tpu.memref_squeeze %dma_start3A_59 : memref<1x128x64xf32, #tpu.memory_space<vmem>> -> memref<128x64xf32, #tpu.memory_space<vmem>>
      %dma_start3A_61 = arith.constant 0 : i32
      %dma_start3A_62 = tpu.memref_slice %arg8[%scan3A_44, %dma_start3A_56, %dma_start3A_61] : memref<80x1x128xi32, #tpu.memory_space<vmem>> -> memref<1x1x128xi32, #tpu.memory_space<vmem>>
      %dma_start3A_63 = tpu.memref_squeeze %dma_start3A_62 : memref<1x1x128xi32, #tpu.memory_space<vmem>> -> memref<128xi32, #tpu.memory_space<vmem>>
      %dma_start3A_64 = arith.constant 0 : i32
      %dma_start3A_65 = arith.constant 0 : i32
      %dma_start3A_66 = tpu.memref_slice %arg11[%dma_start3A_64, %dma_start3A_65] : memref<10240x64xf32, #tpu.memory_space<vmem_shared>> -> memref<10240x64xf32, #tpu.memory_space<vmem_shared>>
      tpu.enqueue_indirect_dma source(%dma_start3A_60 : memref<128x64xf32, #tpu.memory_space<vmem>>) target(%dma_start3A_66 : memref<10240x64xf32, #tpu.memory_space<vmem_shared>>) offsets(%dma_start3A_63 : memref<128xi32, #tpu.memory_space<vmem>>) semaphore(%arg13 : memref<!tpu.dma_semaphore, #tpu.memory_space<semaphore_mem>>) {add = true}
      %ge3A = arith.constant 1 : i32
      %ge3A_67 = arith.cmpi sge, %scan3A_44, %ge3A : i32
      %convert_element_type3A = arith.extui %ge3A_67 : i1 to i32
      %cond3A = arith.constant 0 : i32
      %cond3A_68 = arith.cmpi ne, %convert_element_type3A, %cond3A : i32
      scf.if %cond3A_68 {
        %dma_wait3A_73 = arith.constant 0 : i32
        %dma_wait3A_74 = arith.constant 0 : i32
        %dma_wait3A_75 = arith.constant 0 : i32
        %dma_wait3A_76 = tpu.memref_slice %arg9[%rem3A_45, %dma_wait3A_74, %dma_wait3A_75] : memref<3x128x64xf32, #tpu.memory_space<vmem>> -> memref<1x128x64xf32, #tpu.memory_space<vmem>>
        %dma_wait3A_77 = tpu.memref_squeeze %dma_wait3A_76 : memref<1x128x64xf32, #tpu.memory_space<vmem>> -> memref<128x64xf32, #tpu.memory_space<vmem>>
        %dma_wait3A_78 = arith.constant 0 : i32
        %dma_wait3A_79 = tpu.memref_slice %arg8[%scan3A_44, %dma_wait3A_73, %dma_wait3A_78] : memref<80x1x128xi32, #tpu.memory_space<vmem>> -> memref<1x1x128xi32, #tpu.memory_space<vmem>>
        %dma_wait3A_80 = tpu.memref_squeeze %dma_wait3A_79 : memref<1x1x128xi32, #tpu.memory_space<vmem>> -> memref<128xi32, #tpu.memory_space<vmem>>
        %dma_wait3A_81 = arith.constant 0 : i32
        %dma_wait3A_82 = arith.constant 0 : i32
        %dma_wait3A_83 = tpu.memref_slice %arg11[%dma_wait3A_81, %dma_wait3A_82] : memref<10240x64xf32, #tpu.memory_space<vmem_shared>> -> memref<10240x64xf32, #tpu.memory_space<vmem_shared>>
        tpu.wait_indirect_dma semaphore(%arg13 : memref<!tpu.dma_semaphore, #tpu.memory_space<semaphore_mem>>) src(%dma_wait3A_77 : memref<128x64xf32, #tpu.memory_space<vmem>>) dst(%dma_wait3A_83 : memref<10240x64xf32, #tpu.memory_space<vmem_shared>>)
      } else {
      }
      %lt3A = arith.constant 78 : i32
      %lt3A_69 = arith.cmpi slt, %scan3A_44, %lt3A : i32
      %convert_element_type3A_70 = arith.extui %lt3A_69 : i1 to i32
      %cond3A_71 = arith.constant 0 : i32
      %cond3A_72 = arith.cmpi ne, %convert_element_type3A_70, %cond3A_71 : i32
      scf.if %cond3A_72 {
        %add3A_73 = arith.constant 2 : i32
        %add3A_74 = arith.addi %scan3A_44, %add3A_73 : i32
        %add3A_75 = arith.constant 2 : i32
        %add3A_76 = arith.addi %scan3A_44, %add3A_75 : i32
        %rem3A_77 = arith.constant 3 : i32
        %rem3A_78 = arith.remsi %add3A_76, %rem3A_77 : i32
        %dma_start3A_79 = arith.constant 0 : i32
        %dma_start3A_80 = arith.constant 0 : i32
        %dma_start3A_81 = tpu.memref_slice %arg9[%rem3A_78, %dma_start3A_79, %dma_start3A_80] : memref<3x128x64xf32, #tpu.memory_space<vmem>> -> memref<1x128x64xf32, #tpu.memory_space<vmem>>
        %dma_start3A_82 = tpu.memref_squeeze %dma_start3A_81 : memref<1x128x64xf32, #tpu.memory_space<vmem>> -> memref<128x64xf32, #tpu.memory_space<vmem>>
        %dma_start3A_83 = arith.constant 0 : i32
        %dma_start3A_84 = tpu.memref_slice %arg7[%add3A_74, %dma_start3A_83] : memref<80x128xi32, #tpu.memory_space<vmem>> -> memref<1x128xi32, #tpu.memory_space<vmem>>
        %dma_start3A_85 = tpu.memref_squeeze %dma_start3A_84 : memref<1x128xi32, #tpu.memory_space<vmem>> -> memref<128xi32, #tpu.memory_space<vmem>>
        %dma_start3A_86 = arith.constant 0 : i32
        %dma_start3A_87 = arith.constant 0 : i32
        %dma_start3A_88 = tpu.memref_slice %arg10[%dma_start3A_86, %dma_start3A_87] : memref<10240x64xf32, #tpu.memory_space<vmem_shared>> -> memref<10240x64xf32, #tpu.memory_space<vmem_shared>>
        tpu.enqueue_indirect_dma source(%dma_start3A_88 : memref<10240x64xf32, #tpu.memory_space<vmem_shared>>) target(%dma_start3A_82 : memref<128x64xf32, #tpu.memory_space<vmem>>) offsets(%dma_start3A_85 : memref<128xi32, #tpu.memory_space<vmem>>) semaphore(%arg12 : memref<!tpu.dma_semaphore, #tpu.memory_space<semaphore_mem>>)
      } else {
      }
    }
    %scan3A_30 = arith.constant 80 : i32
    %dma_wait3A = arith.constant 0 : i32
    %dma_wait3A_31 = arith.constant 0 : i32
    %dma_wait3A_32 = arith.constant 0 : i32
    %dma_wait3A_33 = arith.constant 0 : i32
    %dma_wait3A_34 = arith.constant 0 : i32
    %dma_wait3A_35 = tpu.memref_slice %arg9[%dma_wait3A, %dma_wait3A_33, %dma_wait3A_34] : memref<3x128x64xf32, #tpu.memory_space<vmem>> -> memref<1x128x64xf32, #tpu.memory_space<vmem>>
    %dma_wait3A_36 = tpu.memref_squeeze %dma_wait3A_35 : memref<1x128x64xf32, #tpu.memory_space<vmem>> -> memref<128x64xf32, #tpu.memory_space<vmem>>
    %dma_wait3A_37 = arith.constant 0 : i32
    %dma_wait3A_38 = tpu.memref_slice %arg8[%dma_wait3A_31, %dma_wait3A_32, %dma_wait3A_37] : memref<80x1x128xi32, #tpu.memory_space<vmem>> -> memref<1x1x128xi32, #tpu.memory_space<vmem>>
    %dma_wait3A_39 = tpu.memref_squeeze %dma_wait3A_38 : memref<1x1x128xi32, #tpu.memory_space<vmem>> -> memref<128xi32, #tpu.memory_space<vmem>>
    %dma_wait3A_40 = arith.constant 0 : i32
    %dma_wait3A_41 = arith.constant 0 : i32
    %dma_wait3A_42 = tpu.memref_slice %arg11[%dma_wait3A_40, %dma_wait3A_41] : memref<10240x64xf32, #tpu.memory_space<vmem_shared>> -> memref<10240x64xf32, #tpu.memory_space<vmem_shared>>
    tpu.wait_indirect_dma semaphore(%arg13 : memref<!tpu.dma_semaphore, #tpu.memory_space<semaphore_mem>>) src(%dma_wait3A_36 : memref<128x64xf32, #tpu.memory_space<vmem>>) dst(%dma_wait3A_42 : memref<10240x64xf32, #tpu.memory_space<vmem_shared>>)
    %barrier3A_43 = arith.constant 0 : index
    tpu.barrier barrier_id(%barrier3A_43)
    "tpu.region"() ({
      %run_scoped3A = tpu.sem_alloc : memref<!tpu.dma_semaphore, #tpu.memory_space<semaphore_mem>>
      %dma_start3A_44 = arith.constant 0 : i32
      %dma_start3A_45 = tpu.memref_slice %arg6[%arg0, %mul3A_2, %dma_start3A_44] : memref<2x10240x64xf32, #tpu.memory_space<hbm>> -> memref<1x640x64xf32, #tpu.memory_space<hbm>>
      %dma_start3A_46 = tpu.memref_squeeze %dma_start3A_45 : memref<1x640x64xf32, #tpu.memory_space<hbm>> -> memref<640x64xf32, #tpu.memory_space<hbm>>
      %dma_start3A_47 = arith.constant 0 : i32
      %dma_start3A_48 = tpu.memref_slice %arg11[%mul3A_2, %dma_start3A_47] : memref<10240x64xf32, #tpu.memory_space<vmem_shared>> -> memref<640x64xf32, #tpu.memory_space<vmem_shared>>
      tpu.enqueue_dma source(%dma_start3A_48 : memref<640x64xf32, #tpu.memory_space<vmem_shared>>) target(%dma_start3A_46 : memref<640x64xf32, #tpu.memory_space<hbm>>) target_semaphore(%run_scoped3A : memref<!tpu.dma_semaphore, #tpu.memory_space<semaphore_mem>>)
      %dma_wait3A_49 = arith.constant 0 : i32
      %dma_wait3A_50 = tpu.memref_slice %arg6[%arg0, %mul3A_2, %dma_wait3A_49] : memref<2x10240x64xf32, #tpu.memory_space<hbm>> -> memref<1x640x64xf32, #tpu.memory_space<hbm>>
      %dma_wait3A_51 = tpu.memref_squeeze %dma_wait3A_50 : memref<1x640x64xf32, #tpu.memory_space<hbm>> -> memref<640x64xf32, #tpu.memory_space<hbm>>
      %dma_wait3A_52 = arith.constant 0 : i32
      %dma_wait3A_53 = tpu.memref_slice %arg11[%mul3A_2, %dma_wait3A_52] : memref<10240x64xf32, #tpu.memory_space<vmem_shared>> -> memref<640x64xf32, #tpu.memory_space<vmem_shared>>
      tpu.wait_dma2 semaphore(%run_scoped3A : memref<!tpu.dma_semaphore, #tpu.memory_space<semaphore_mem>>) src(%dma_wait3A_53 : memref<640x64xf32, #tpu.memory_space<vmem_shared>>) dst(%dma_wait3A_51 : memref<640x64xf32, #tpu.memory_space<hbm>>)
      tpu.yield
    }) : () -> ()
    return
  }
}

module attributes {stable_mosaic.version = 14 : i64} {
  func.func @_tc_first_body(%arg0: i32, %arg1: memref<1024x256xf32, #tpu.memory_space<vmem>>, %arg2: memref<256x128xf32, #tpu.memory_space<vmem>>, %arg3: memref<1024x128xf32, #tpu.memory_space<vmem>>, %arg4: memref<1024x128xf32, #tpu.memory_space<vmem>>) attributes {dimension_semantics = [#tpu.dimension_semantics<arbitrary>], iteration_bounds = array<i64: 5>, scalar_prefetch = 0 : i64, scratch_operands = 0 : i64, tpu.core_type = #tpu.core_type<tc>, window_params = [{transform_indices = @transform_0, window_bounds = array<i64: 1024, 256>}, {pipeline_mode = #tpu.pipeline_mode<synchronous>, transform_indices = @transform_1, window_bounds = array<i64: 256, 128>}, {transform_indices = @transform_2, window_bounds = array<i64: 1024, 128>}, {transform_indices = @transform_3, window_bounds = array<i64: 1024, 128>}]} {
    %get3A = arith.constant 0 : index
    %get3A_0 = arith.constant 0 : index
    %get3A_1 = vector.load %arg1[%get3A, %get3A_0] : memref<1024x256xf32, #tpu.memory_space<vmem>>, vector<1024x256xf32>
    %get3A_2 = arith.constant 0 : index
    %get3A_3 = arith.constant 0 : index
    %get3A_4 = vector.load %arg2[%get3A_2, %get3A_3] : memref<256x128xf32, #tpu.memory_space<vmem>>, vector<256x128xf32>
    %dot_general3A = arith.constant dense<0.000000e+00> : vector<1024x128xf32>
    %dot_general3A_5 = tpu.matmul %get3A_1, %get3A_4, %dot_general3A {dimension_numbers = #tpu.dot_dimension_numbers<[1], [0], [0], [1], [0, 0, 1, 1], [], []>, transpose_lhs_hint = false} : vector<1024x256xf32>, vector<256x128xf32>, vector<1024x128xf32> -> vector<1024x128xf32>
    %get3A_6 = arith.constant 0 : index
    %get3A_7 = arith.constant 0 : index
    %get3A_8 = vector.load %arg3[%get3A_6, %get3A_7] : memref<1024x128xf32, #tpu.memory_space<vmem>>, vector<1024x128xf32>
    %mul3A = arith.mulf %dot_general3A_5, %get3A_8 : vector<1024x128xf32>
    %swap3A = arith.constant 0 : index
    %swap3A_9 = arith.constant 0 : index
    %swap3A_10 = vector.load %arg4[%swap3A, %swap3A_9] : memref<1024x128xf32, #tpu.memory_space<vmem>>, vector<1024x128xf32>
    tpu.vector_store %arg4[%swap3A, %swap3A_9], %mul3A {strides = array<i32>} : memref<1024x128xf32, #tpu.memory_space<vmem>>, vector<1024x128xf32>,
    return
  }
  func.func @transform_0(%arg0: i32) -> (i32, i32) {
    %c0_i32 = arith.constant 0 : i32
    %c0_i32_0 = arith.constant 0 : i32
    return %arg0, %c0_i32 : i32, i32
  }
  func.func @transform_1(%arg0: i32) -> (i32, i32) {
    %c0_i32 = arith.constant 0 : i32
    %c0_i32_0 = arith.constant 0 : i32
    %c0_i32_1 = arith.constant 0 : i32
    return %c0_i32, %c0_i32_0 : i32, i32
  }
  func.func @transform_2(%arg0: i32) -> (i32, i32) {
    %c0_i32 = arith.constant 0 : i32
    %c0_i32_0 = arith.constant 0 : i32
    return %arg0, %c0_i32 : i32, i32
  }
  func.func @transform_3(%arg0: i32) -> (i32, i32) {
    %c0_i32 = arith.constant 0 : i32
    %c0_i32_0 = arith.constant 0 : i32
    return %arg0, %c0_i32 : i32, i32
  }
}

module attributes {stable_mosaic.version = 14 : i64} {
  func.func @_tc_mid_body(%arg0: i32, %arg1: memref<2x1024x128xf32, #tpu.memory_space<vmem>>, %arg2: memref<1024x128xf32, #tpu.memory_space<vmem>>, %arg3: memref<1024x128xf32, #tpu.memory_space<vmem>>, %arg4: memref<1024x128xf32, #tpu.memory_space<vmem>>, %arg5: memref<1x128xf32, #tpu.memory_space<vmem>>, %arg6: memref<128x128xf32, #tpu.memory_space<vmem>>, %arg7: memref<1024x128xf32, #tpu.memory_space<vmem>>) attributes {dimension_semantics = [#tpu.dimension_semantics<arbitrary>], iteration_bounds = array<i64: 5>, scalar_prefetch = 0 : i64, scratch_operands = 0 : i64, tpu.core_type = #tpu.core_type<tc>, window_params = [{transform_indices = @transform_0, window_bounds = array<i64: 2, 1024, 128>}, {transform_indices = @transform_1, window_bounds = array<i64: 1024, 128>}, {transform_indices = @transform_2, window_bounds = array<i64: 1024, 128>}, {transform_indices = @transform_3, window_bounds = array<i64: 1024, 128>}, {pipeline_mode = #tpu.pipeline_mode<synchronous>, transform_indices = @transform_4, window_bounds = array<i64: 1, 128>}, {pipeline_mode = #tpu.pipeline_mode<synchronous>, transform_indices = @transform_5, window_bounds = array<i64: 128, 128>}, {transform_indices = @transform_6, window_bounds = array<i64: 1024, 128>}]} {
    %get3A = arith.constant 0 : index
    %get3A_0 = arith.constant 0 : index
    %get3A_1 = arith.constant 0 : index
    %get3A_2 = vector.load %arg1[%get3A, %get3A_0, %get3A_1] : memref<2x1024x128xf32, #tpu.memory_space<vmem>>, vector<1x1024x128xf32>
    %get3A_3 = vector.shape_cast %get3A_2 : vector<1x1024x128xf32> to vector<1024x128xf32>
    %get3A_4 = arith.constant 1 : index
    %get3A_5 = arith.constant 0 : index
    %get3A_6 = arith.constant 0 : index
    %get3A_7 = vector.load %arg1[%get3A_4, %get3A_5, %get3A_6] : memref<2x1024x128xf32, #tpu.memory_space<vmem>>, vector<1x1024x128xf32>
    %get3A_8 = vector.shape_cast %get3A_7 : vector<1x1024x128xf32> to vector<1024x128xf32>
    %add3A = arith.addf %get3A_3, %get3A_8 : vector<1024x128xf32>
    %get3A_9 = arith.constant 0 : index
    %get3A_10 = arith.constant 0 : index
    %get3A_11 = vector.load %arg2[%get3A_9, %get3A_10] : memref<1024x128xf32, #tpu.memory_space<vmem>>, vector<1024x128xf32>
    %add3A_12 = arith.addf %add3A, %get3A_11 : vector<1024x128xf32>
    %get3A_13 = arith.constant 0 : index
    %get3A_14 = arith.constant 0 : index
    %get3A_15 = vector.load %arg3[%get3A_13, %get3A_14] : memref<1024x128xf32, #tpu.memory_space<vmem>>, vector<1024x128xf32>
    %mul3A = arith.mulf %add3A_12, %get3A_15 : vector<1024x128xf32>
    %get3A_16 = arith.constant 0 : index
    %get3A_17 = arith.constant 0 : index
    %get3A_18 = vector.load %arg5[%get3A_16, %get3A_17] : memref<1x128xf32, #tpu.memory_space<vmem>>, vector<1x128xf32>
    %add3A_19 = vector.broadcast %get3A_18 : vector<1x128xf32> to vector<1024x128xf32>
    %add3A_20 = arith.addf %mul3A, %add3A_19 : vector<1024x128xf32>
    %max3A = arith.constant 0.000000e+00 : f32
    %max3A_21 = vector.broadcast %max3A : f32 to vector<1024x128xf32>
    %max3A_22 = arith.maximumf %add3A_20, %max3A_21 : vector<1024x128xf32>
    %get3A_23 = arith.constant 0 : index
    %get3A_24 = arith.constant 0 : index
    %get3A_25 = vector.load %arg6[%get3A_23, %get3A_24] : memref<128x128xf32, #tpu.memory_space<vmem>>, vector<128x128xf32>
    %dot_general3A = arith.constant dense<0.000000e+00> : vector<1024x128xf32>
    %dot_general3A_26 = tpu.matmul %max3A_22, %get3A_25, %dot_general3A {dimension_numbers = #tpu.dot_dimension_numbers<[1], [0], [0], [1], [0, 0, 1, 1], [], []>, transpose_lhs_hint = false} : vector<1024x128xf32>, vector<128x128xf32>, vector<1024x128xf32> -> vector<1024x128xf32>
    %get3A_27 = arith.constant 0 : index
    %get3A_28 = arith.constant 0 : index
    %get3A_29 = vector.load %arg4[%get3A_27, %get3A_28] : memref<1024x128xf32, #tpu.memory_space<vmem>>, vector<1024x128xf32>
    %mul3A_30 = arith.mulf %dot_general3A_26, %get3A_29 : vector<1024x128xf32>
    %swap3A = arith.constant 0 : index
    %swap3A_31 = arith.constant 0 : index
    %swap3A_32 = vector.load %arg7[%swap3A, %swap3A_31] : memref<1024x128xf32, #tpu.memory_space<vmem>>, vector<1024x128xf32>
    tpu.vector_store %arg7[%swap3A, %swap3A_31], %mul3A_30 {strides = array<i32>} : memref<1024x128xf32, #tpu.memory_space<vmem>>, vector<1024x128xf32>,
    return
  }
  func.func @transform_0(%arg0: i32) -> (i32, i32, i32) {
    %c0_i32 = arith.constant 0 : i32
    %c0_i32_0 = arith.constant 0 : i32
    %c0_i32_1 = arith.constant 0 : i32
    return %c0_i32, %arg0, %c0_i32_0 : i32, i32, i32
  }
  func.func @transform_1(%arg0: i32) -> (i32, i32) {
    %c0_i32 = arith.constant 0 : i32
    %c0_i32_0 = arith.constant 0 : i32
    return %arg0, %c0_i32 : i32, i32
  }
  func.func @transform_2(%arg0: i32) -> (i32, i32) {
    %c0_i32 = arith.constant 0 : i32
    %c0_i32_0 = arith.constant 0 : i32
    return %arg0, %c0_i32 : i32, i32
  }
  func.func @transform_3(%arg0: i32) -> (i32, i32) {
    %c0_i32 = arith.constant 0 : i32
    %c0_i32_0 = arith.constant 0 : i32
    return %arg0, %c0_i32 : i32, i32
  }
  func.func @transform_4(%arg0: i32) -> (i32, i32) {
    %c0_i32 = arith.constant 0 : i32
    %c0_i32_0 = arith.constant 0 : i32
    %c0_i32_1 = arith.constant 0 : i32
    return %c0_i32, %c0_i32_0 : i32, i32
  }
  func.func @transform_5(%arg0: i32) -> (i32, i32) {
    %c0_i32 = arith.constant 0 : i32
    %c0_i32_0 = arith.constant 0 : i32
    %c0_i32_1 = arith.constant 0 : i32
    return %c0_i32, %c0_i32_0 : i32, i32
  }
  func.func @transform_6(%arg0: i32) -> (i32, i32) {
    %c0_i32 = arith.constant 0 : i32
    %c0_i32_0 = arith.constant 0 : i32
    return %arg0, %c0_i32 : i32, i32
  }
}

module attributes {stable_mosaic.version = 14 : i64} {
  func.func @_tc_mid_body(%arg0: i32, %arg1: memref<2x1024x128xf32, #tpu.memory_space<vmem>>, %arg2: memref<1024x128xf32, #tpu.memory_space<vmem>>, %arg3: memref<1024x128xf32, #tpu.memory_space<vmem>>, %arg4: memref<1024x32xf32, #tpu.memory_space<vmem>>, %arg5: memref<1x128xf32, #tpu.memory_space<vmem>>, %arg6: memref<128x32xf32, #tpu.memory_space<vmem>>, %arg7: memref<1024x32xf32, #tpu.memory_space<vmem>>) attributes {dimension_semantics = [#tpu.dimension_semantics<arbitrary>], iteration_bounds = array<i64: 5>, scalar_prefetch = 0 : i64, scratch_operands = 0 : i64, tpu.core_type = #tpu.core_type<tc>, window_params = [{transform_indices = @transform_0, window_bounds = array<i64: 2, 1024, 128>}, {transform_indices = @transform_1, window_bounds = array<i64: 1024, 128>}, {transform_indices = @transform_2, window_bounds = array<i64: 1024, 128>}, {transform_indices = @transform_3, window_bounds = array<i64: 1024, 32>}, {pipeline_mode = #tpu.pipeline_mode<synchronous>, transform_indices = @transform_4, window_bounds = array<i64: 1, 128>}, {pipeline_mode = #tpu.pipeline_mode<synchronous>, transform_indices = @transform_5, window_bounds = array<i64: 128, 32>}, {transform_indices = @transform_6, window_bounds = array<i64: 1024, 32>}]} {
    %get3A = arith.constant 0 : index
    %get3A_0 = arith.constant 0 : index
    %get3A_1 = arith.constant 0 : index
    %get3A_2 = vector.load %arg1[%get3A, %get3A_0, %get3A_1] : memref<2x1024x128xf32, #tpu.memory_space<vmem>>, vector<1x1024x128xf32>
    %get3A_3 = vector.shape_cast %get3A_2 : vector<1x1024x128xf32> to vector<1024x128xf32>
    %get3A_4 = arith.constant 1 : index
    %get3A_5 = arith.constant 0 : index
    %get3A_6 = arith.constant 0 : index
    %get3A_7 = vector.load %arg1[%get3A_4, %get3A_5, %get3A_6] : memref<2x1024x128xf32, #tpu.memory_space<vmem>>, vector<1x1024x128xf32>
    %get3A_8 = vector.shape_cast %get3A_7 : vector<1x1024x128xf32> to vector<1024x128xf32>
    %add3A = arith.addf %get3A_3, %get3A_8 : vector<1024x128xf32>
    %get3A_9 = arith.constant 0 : index
    %get3A_10 = arith.constant 0 : index
    %get3A_11 = vector.load %arg2[%get3A_9, %get3A_10] : memref<1024x128xf32, #tpu.memory_space<vmem>>, vector<1024x128xf32>
    %add3A_12 = arith.addf %add3A, %get3A_11 : vector<1024x128xf32>
    %get3A_13 = arith.constant 0 : index
    %get3A_14 = arith.constant 0 : index
    %get3A_15 = vector.load %arg3[%get3A_13, %get3A_14] : memref<1024x128xf32, #tpu.memory_space<vmem>>, vector<1024x128xf32>
    %mul3A = arith.mulf %add3A_12, %get3A_15 : vector<1024x128xf32>
    %get3A_16 = arith.constant 0 : index
    %get3A_17 = arith.constant 0 : index
    %get3A_18 = vector.load %arg5[%get3A_16, %get3A_17] : memref<1x128xf32, #tpu.memory_space<vmem>>, vector<1x128xf32>
    %add3A_19 = vector.broadcast %get3A_18 : vector<1x128xf32> to vector<1024x128xf32>
    %add3A_20 = arith.addf %mul3A, %add3A_19 : vector<1024x128xf32>
    %max3A = arith.constant 0.000000e+00 : f32
    %max3A_21 = vector.broadcast %max3A : f32 to vector<1024x128xf32>
    %max3A_22 = arith.maximumf %add3A_20, %max3A_21 : vector<1024x128xf32>
    %get3A_23 = arith.constant 0 : index
    %get3A_24 = arith.constant 0 : index
    %get3A_25 = vector.load %arg6[%get3A_23, %get3A_24] : memref<128x32xf32, #tpu.memory_space<vmem>>, vector<128x32xf32>
    %dot_general3A = arith.constant dense<0.000000e+00> : vector<1024x32xf32>
    %dot_general3A_26 = tpu.matmul %max3A_22, %get3A_25, %dot_general3A {dimension_numbers = #tpu.dot_dimension_numbers<[1], [0], [0], [1], [0, 0, 1, 1], [], []>, transpose_lhs_hint = false} : vector<1024x128xf32>, vector<128x32xf32>, vector<1024x32xf32> -> vector<1024x32xf32>
    %get3A_27 = arith.constant 0 : index
    %get3A_28 = arith.constant 0 : index
    %get3A_29 = vector.load %arg4[%get3A_27, %get3A_28] : memref<1024x32xf32, #tpu.memory_space<vmem>>, vector<1024x32xf32>
    %mul3A_30 = arith.mulf %dot_general3A_26, %get3A_29 : vector<1024x32xf32>
    %swap3A = arith.constant 0 : index
    %swap3A_31 = arith.constant 0 : index
    %swap3A_32 = vector.load %arg7[%swap3A, %swap3A_31] : memref<1024x32xf32, #tpu.memory_space<vmem>>, vector<1024x32xf32>
    tpu.vector_store %arg7[%swap3A, %swap3A_31], %mul3A_30 {strides = array<i32>} : memref<1024x32xf32, #tpu.memory_space<vmem>>, vector<1024x32xf32>,
    return
  }
  func.func @transform_0(%arg0: i32) -> (i32, i32, i32) {
    %c0_i32 = arith.constant 0 : i32
    %c0_i32_0 = arith.constant 0 : i32
    %c0_i32_1 = arith.constant 0 : i32
    return %c0_i32, %arg0, %c0_i32_0 : i32, i32, i32
  }
  func.func @transform_1(%arg0: i32) -> (i32, i32) {
    %c0_i32 = arith.constant 0 : i32
    %c0_i32_0 = arith.constant 0 : i32
    return %arg0, %c0_i32 : i32, i32
  }
  func.func @transform_2(%arg0: i32) -> (i32, i32) {
    %c0_i32 = arith.constant 0 : i32
    %c0_i32_0 = arith.constant 0 : i32
    return %arg0, %c0_i32 : i32, i32
  }
  func.func @transform_3(%arg0: i32) -> (i32, i32) {
    %c0_i32 = arith.constant 0 : i32
    %c0_i32_0 = arith.constant 0 : i32
    return %arg0, %c0_i32 : i32, i32
  }
  func.func @transform_4(%arg0: i32) -> (i32, i32) {
    %c0_i32 = arith.constant 0 : i32
    %c0_i32_0 = arith.constant 0 : i32
    %c0_i32_1 = arith.constant 0 : i32
    return %c0_i32, %c0_i32_0 : i32, i32
  }
  func.func @transform_5(%arg0: i32) -> (i32, i32) {
    %c0_i32 = arith.constant 0 : i32
    %c0_i32_0 = arith.constant 0 : i32
    %c0_i32_1 = arith.constant 0 : i32
    return %c0_i32, %c0_i32_0 : i32, i32
  }
  func.func @transform_6(%arg0: i32) -> (i32, i32) {
    %c0_i32 = arith.constant 0 : i32
    %c0_i32_0 = arith.constant 0 : i32
    return %arg0, %c0_i32 : i32, i32
  }
}

module attributes {stable_mosaic.version = 14 : i64} {
  func.func @_tc_last_body(%arg0: i32, %arg1: memref<2x256x128xf32, #tpu.memory_space<vmem>>, %arg2: memref<256x128xf32, #tpu.memory_space<vmem>>, %arg3: memref<256x128xf32, #tpu.memory_space<vmem>>, %arg4: memref<1x128xf32, #tpu.memory_space<vmem>>, %arg5: memref<256x128xf32, #tpu.memory_space<vmem>>) attributes {dimension_semantics = [#tpu.dimension_semantics<arbitrary>], iteration_bounds = array<i64: 5>, scalar_prefetch = 0 : i64, scratch_operands = 0 : i64, tpu.core_type = #tpu.core_type<tc>, window_params = [{transform_indices = @transform_0, window_bounds = array<i64: 2, 256, 128>}, {transform_indices = @transform_1, window_bounds = array<i64: 256, 128>}, {transform_indices = @transform_2, window_bounds = array<i64: 256, 128>}, {pipeline_mode = #tpu.pipeline_mode<synchronous>, transform_indices = @transform_3, window_bounds = array<i64: 1, 128>}, {transform_indices = @transform_4, window_bounds = array<i64: 256, 128>}]} {
    %get3A = arith.constant 0 : index
    %get3A_0 = arith.constant 0 : index
    %get3A_1 = arith.constant 0 : index
    %get3A_2 = vector.load %arg1[%get3A, %get3A_0, %get3A_1] : memref<2x256x128xf32, #tpu.memory_space<vmem>>, vector<1x256x128xf32>
    %get3A_3 = vector.shape_cast %get3A_2 : vector<1x256x128xf32> to vector<256x128xf32>
    %get3A_4 = arith.constant 1 : index
    %get3A_5 = arith.constant 0 : index
    %get3A_6 = arith.constant 0 : index
    %get3A_7 = vector.load %arg1[%get3A_4, %get3A_5, %get3A_6] : memref<2x256x128xf32, #tpu.memory_space<vmem>>, vector<1x256x128xf32>
    %get3A_8 = vector.shape_cast %get3A_7 : vector<1x256x128xf32> to vector<256x128xf32>
    %add3A = arith.addf %get3A_3, %get3A_8 : vector<256x128xf32>
    %get3A_9 = arith.constant 0 : index
    %get3A_10 = arith.constant 0 : index
    %get3A_11 = vector.load %arg2[%get3A_9, %get3A_10] : memref<256x128xf32, #tpu.memory_space<vmem>>, vector<256x128xf32>
    %add3A_12 = arith.addf %add3A, %get3A_11 : vector<256x128xf32>
    %get3A_13 = arith.constant 0 : index
    %get3A_14 = arith.constant 0 : index
    %get3A_15 = vector.load %arg3[%get3A_13, %get3A_14] : memref<256x128xf32, #tpu.memory_space<vmem>>, vector<256x128xf32>
    %mul3A = arith.mulf %add3A_12, %get3A_15 : vector<256x128xf32>
    %get3A_16 = arith.constant 0 : index
    %get3A_17 = arith.constant 0 : index
    %get3A_18 = vector.load %arg4[%get3A_16, %get3A_17] : memref<1x128xf32, #tpu.memory_space<vmem>>, vector<1x128xf32>
    %add3A_19 = vector.broadcast %get3A_18 : vector<1x128xf32> to vector<256x128xf32>
    %add3A_20 = arith.addf %mul3A, %add3A_19 : vector<256x128xf32>
    %swap3A = arith.constant 0 : index
    %swap3A_21 = arith.constant 0 : index
    %swap3A_22 = vector.load %arg5[%swap3A, %swap3A_21] : memref<256x128xf32, #tpu.memory_space<vmem>>, vector<256x128xf32>
    tpu.vector_store %arg5[%swap3A, %swap3A_21], %add3A_20 {strides = array<i32>} : memref<256x128xf32, #tpu.memory_space<vmem>>, vector<256x128xf32>,
    return
  }
  func.func @transform_0(%arg0: i32) -> (i32, i32, i32) {
    %c0_i32 = arith.constant 0 : i32
    %c0_i32_0 = arith.constant 0 : i32
    %c0_i32_1 = arith.constant 0 : i32
    return %c0_i32, %arg0, %c0_i32_0 : i32, i32, i32
  }
  func.func @transform_1(%arg0: i32) -> (i32, i32) {
    %c0_i32 = arith.constant 0 : i32
    %c0_i32_0 = arith.constant 0 : i32
    return %arg0, %c0_i32 : i32, i32
  }
  func.func @transform_2(%arg0: i32) -> (i32, i32) {
    %c0_i32 = arith.constant 0 : i32
    %c0_i32_0 = arith.constant 0 : i32
    return %arg0, %c0_i32 : i32, i32
  }
  func.func @transform_3(%arg0: i32) -> (i32, i32) {
    %c0_i32 = arith.constant 0 : i32
    %c0_i32_0 = arith.constant 0 : i32
    %c0_i32_1 = arith.constant 0 : i32
    return %c0_i32, %c0_i32_0 : i32, i32
  }
  func.func @transform_4(%arg0: i32) -> (i32, i32) {
    %c0_i32 = arith.constant 0 : i32
    %c0_i32_0 = arith.constant 0 : i32
    return %arg0, %c0_i32 : i32, i32
  }
}

</mosaic_0001>

<sc_bundles>
// kernel: kernel.10.cloned.1.call-start
scs
__scs_entry_jumppad:
0x0: {  	(pc) =	sbr.rel $0x88, $3  }
0x1: {  	(tag) =	ssettag $0x0;
	lr =	simm.s32 $0x1  }
0x2: {  	[smem:$0x3F99] =	sst lr;
	_ =	strace $0xD0000000  }
0x3: {  	_ = 	snop  }
0x4: {  	_ = 	snop  }
0x5: {  	_ = 	snop  }
0x6: {  	_ = 	snop  }
0x7: {  	_ = 	snop  }
__scs_overlays_trampoline_lowered:
0x8: {  	[smem:$0x3FA8] =	sst s0  }
0x9: {  	[smem:$0x3FA9] =	sst s1  }
0xa: {  	[smem:$0x3FAA] =	sst s2  }
0xb: {  	[smem:$0x3FAB] =	sst s3  }
0xc: {  	[smem:$0x3FAC] =	sst s4  }
0xd: {  	[smem:$0x3FAD] =	sst s5  }
0xe: {  	[smem:$0x3FAE] =	sst s6  }
0xf: {  	[smem:$0x3FAF] =	sst s7  }
0x10: {  	[smem:$0x3FB0] =	sst s8  }
0x11: {  	[smem:$0x3FB1] =	sst s9;
	s0 =	simm.s32 @!p0 $0x0  }
0x12: {  	s1 =	sld [smem:$0x3F97];
	s0 =	simm.s32 @p0 $0x1  }
0x13: {  	[smem:$0x3FB2] =	sst s0;
	s0 =	simm.s32 @!p1 $0x0  }
0x14: {  	s2 =	sld [smem:$0x3F96];
	s0 =	simm.s32 @p1 $0x1  }
0x15: {  	[smem:$0x3FB3] =	sst s0;
	s0 =	simm.s32 @!p2 $0x0  }
0x16: {  	s3 =	sld [smem:$0x3FDB];
	s0 =	simm.s32 @p2 $0x1  }
0x17: {  	s4 =	simm.s32 $0x1BF5;
	[smem:$0x3FB5] =	sst s0  }
0x18: {  	s0 =	sld [smem:$0x3F98];
	_ =	swait.ge [sflag:s4], $0x0  }
0x19: {  	s7 =	sld [smem:$0x3F99]  }
0x1a: {  	s8 =	sadd.s32 $0xFFFFE003, lr  }
0x1b: {  	s9 =	sadd.s32 $0xFFFFFEF7, lr;
	s5 =	simm.s32 $0xFFFFFFFF;
	p2 =	slt.u32 s8, $0xFFFFF086  }
0x1c: {  	p1 =	slt.u32 s9, $0xF7A;
	s5 =	simm.s32 @!p2 $0x0  }
0x1d: {  	s5 =	simm.s32 @p1 $0x1;
	p0 =	seq.s32 s7, s2  }
0x1e: {  	s7 =	smul.u32 @!p0 $0xF7A, s2;
	p2 =	seq.s32 @!p0 s5, $0x0  }
0x1f: {  	s9 =	smul.u32 $0xF7A, s1;
	s8 =	simm.s32 @!p0 $0x1BF5;
	p2 =	por !p2, p0  }
0x20: {  	[sflag:s8] =	ssyncset.s32 @!p0 $0xFFFFF086;
	s6 =	sadd.s32 @!p0 s3, s7;
	s7 =	simm.s32 @!p0 $0x108  }
0x21: {  	s3 =	sadd.s32 s3, s9;
	s6 =	sadd.s32 @!p0 $0x88, s6;
	s7 =	simm.s32 @p2 $0x1082  }
0x22: {  	[simem:s7], [sflag:s8] =	dma.local @!p0 [hbm:s6], $0xF7A  }
0x23: {  	s9 =	sor.u32 $0xD0000000, s2;
	s6 =	simm.s32 $0x108;
	_ =	swait.ge @!p0 [sflag:s8], $0x0  }
0x24: {  	s3 =	sadd.s32 $0x88, s3;
	s6 =	simm.s32 @!p1 $0x1082;
	[sflag:s4] =	ssyncset.s32 $0xFFFFF086  }
0x25: {  	[simem:s6], [sflag:s4] =	dma.local [hbm:s3], $0xF7A  }
0x26: {  	[smem:$0x3F99] =	sst s1;
	(tag) =	ssettag s2;
	_ =	strace s9  }
0x27: {  	s1 =	sld [smem:$0x3FA9]  }
0x28: {  	s2 =	sld [smem:$0x3FAA]  }
0x29: {  	s4 =	sld [smem:$0x3FAC]  }
0x2a: {  	p0 =	seq.s32 s5, $0x0;
	s5 =	sld [smem:$0x3FAD]  }
0x2b: {  	s6 =	sld [smem:$0x3FAE]  }
0x2c: {  	s7 =	sld [smem:$0x3FAF]  }
0x2d: {  	s3 =	simm.s32 $0x108;
	s8 =	sld [smem:$0x3FB0]  }
0x2e: {  	s3 =	simm.s32 @!p0 $0x1082;
	s9 =	sld [smem:$0x3FB1]  }
0x2f: {  	lr =	sadd.s32 s0, s3;
	s0 =	sld [smem:$0x3FA8]  }
0x30: {  	s3 =	sld [smem:$0x3FAB]  }
0x31: {  	[smem:$0x3FB4] =	sst s10  }
0x32: {  	s10 =	sld [smem:$0x3FB2];
	_ =	sdelay $0x3  }
0x33: {  	p0 =	seq.s32 s10, $0x1;
	s10 =	sld [smem:$0x3FB4];
	_ =	sdelay $0x3  }
0x34: {  	[smem:$0x3FB4] =	sst s10  }
0x35: {  	s10 =	sld [smem:$0x3FB3];
	_ =	sdelay $0x3  }
0x36: {  	p1 =	seq.s32 s10, $0x1;
	s10 =	sld [smem:$0x3FB4];
	_ =	sdelay $0x3  }
0x37: {  	[smem:$0x3FB4] =	sst s10  }
0x38: {  	s10 =	sld [smem:$0x3FB5]  }
0x39: {  	_ = 	snop;
	(pc) =	sbr.ind lr, $3  }
0x3a: {  	_ = 	snop  }
0x3b: {  	_ = 	snop  }
0x3c: {  	p2 =	seq.s32 s10, $0x1;
	s10 =	sld [smem:$0x3FB4]  }
0x3d: {  	_ =	shalt  }
0x3e: {  	_ =	shalt  }
0x3f: {  	_ =	shalt  }
0x40: {  	_ =	shalt  }
0x41: {  	_ =	shalt  }
0x42: {  	_ =	shalt  }
0x43: {  	_ =	shalt  }
0x44: {  	_ =	shalt  }
0x45: {  	_ =	shalt  }
0x46: {  	_ =	shalt  }
0x47: {  	_ =	shalt  }
0x48: {  	_ =	shalt  }
0x49: {  	_ =	shalt  }
0x4a: {  	_ =	shalt  }
0x4b: {  	_ =	shalt  }
0x4c: {  	_ =	shalt  }
0x4d: {  	_ =	shalt  }
0x4e: {  	_ =	shalt  }
0x4f: {  	_ =	shalt  }
0x50: {  	_ =	shalt  }
0x51: {  	_ =	shalt  }
0x52: {  	_ =	shalt  }
0x53: {  	_ =	shalt  }
0x54: {  	_ =	shalt  }
0x55: {  	_ =	shalt  }
0x56: {  	_ =	shalt  }
0x57: {  	_ =	shalt  }
0x58: {  	_ =	shalt  }
0x59: {  	_ =	shalt  }
0x5a: {  	_ =	shalt  }
0x5b: {  	_ =	shalt  }
0x5c: {  	_ =	shalt  }
0x5d: {  	_ =	shalt  }
0x5e: {  	_ =	shalt  }
0x5f: {  	_ =	shalt  }
0x60: {  	_ =	shalt  }
0x61: {  	_ =	shalt  }
0x62: {  	_ =	shalt  }
0x63: {  	_ =	shalt  }
0x64: {  	_ =	shalt  }
0x65: {  	_ =	shalt  }
0x66: {  	_ =	shalt  }
0x67: {  	_ =	shalt  }
0x68: {  	_ =	shalt  }
0x69: {  	_ =	shalt  }
0x6a: {  	_ =	shalt  }
0x6b: {  	_ =	shalt  }
0x6c: {  	_ =	shalt  }
0x6d: {  	_ =	shalt  }
0x6e: {  	_ =	shalt  }
0x6f: {  	_ =	shalt  }
0x70: {  	_ =	shalt  }
0x71: {  	_ =	shalt  }
0x72: {  	_ =	shalt  }
0x73: {  	_ =	shalt  }
0x74: {  	_ =	shalt  }
0x75: {  	_ =	shalt  }
0x76: {  	_ =	shalt  }
0x77: {  	_ =	shalt  }
0x78: {  	_ =	shalt  }
0x79: {  	_ =	shalt  }
0x7a: {  	_ =	shalt  }
0x7b: {  	_ =	shalt  }
0x7c: {  	_ =	shalt  }
0x7d: {  	_ =	shalt  }
0x7e: {  	_ =	shalt  }
0x7f: {  	_ =	shalt  }
0x80: {  	_ =	shalt  }
0x81: {  	_ =	shalt  }
0x82: {  	_ =	shalt  }
0x83: {  	_ =	shalt  }
0x84: {  	_ =	shalt  }
0x85: {  	_ =	shalt  }
0x86: {  	_ =	shalt  }
0x87: {  	_ =	shalt  }
.Lfunc_end0:
.L_simem_size_0:
called_computation_lowered:
.L_overlay_start_0:
0x88: {  	s2 =	sld [smem:$0x3FD9]  }
0x89: {  	s3 =	sld [smem:$0x3FFE];
	_ =	sdelay $0x1  }
0x8a: {  	s1 =	srdreg.scid  }
0x8b: {  	s0 =	sand.u32 $0x1, s1  }
0x8c: {  	s17 =	sshll.u32 s0, $0xA;
	s2 =	sadd.s32 s3, s2  }
0x8d: {  	s2 =	sadd.s32 s2, s17  }
0x8e: {  	[smem:$0x3FC0] =	sst s2  }
0x8f: {  	_ = 	snop  }
0x90: {  	s2 =	sld [smem:$0x3FD0];
	(tm) =	ssettm $0x1  }
0x91: {  	s18 =	sld [smem:$0x3FFB];
	_ =	sdelay $0x3  }
0x92: {  	_ =	strace s18  }
0x93: {  	s3 =	sld [smem:$0x3FFC];
	_ =	sdelay $0x3  }
0x94: {  	_ =	strace s3  }
0x95: {  	s3 =	sld [smem:$0x3FFD];
	_ =	sdelay $0x3  }
0x96: {  	_ =	strace s3  }
0x97: {  	_ =	strace $0x8FFFFFFF  }
0x98: {  	s19 =	sld [smem:$0x3FDB];
	_ =	sdelay $0x1  }
0x99: {  	s4 =	simm.s32 $_scs_section_size  }
0x9a: {  	s5 =	simm.s32 $_size__tile_overlayer_lowered;
	s6 =	simm.s32 $_tile_overlayer_lowered  }
0x9b: {  	s22 =	simm.s32 $0x1BFF;
	s21 =	sshll.u32 s6, $0x1;
	s3 =	sadd.s32 s4, s19  }
0x9c: {  	s7 =	simm.s32 $0x0;
	s20 =	sshll.u32 s5, $0x1;
	s5 =	sadd.s32 s21, s3  }
0x9d: {  	[timem:s7], [sflag:s22] =	dma.local [hbm:s5], s20  }
0x9e: {  	_ =	swait.ge [sflag:s22], s20  }
0x9f: {  	s4 =	ssub.s32 $0x0, s20;
	[sflag:s22] =	ssyncset.done $0x0  }
0xa0: {  	[sflag:s22] =	ssyncadd.s32 s4;
	_ =	sdelay $0x1  }
0xa1: {  	s23 =	simm.s32 $0x1B8B  }
0xa2: {  	_ =	swait.ge [sflag:s23], $0x1  }
0xa3: {  	[sflag:s23] =	ssyncset.done $0x0  }
0xa4: {  	s25 =	simm.s32 $0x1B8E;
	s24 =	sld [smem:$0x3FFE];
	[sflag:s23] =	ssyncadd.s32 $0xFFFFFFFF  }
0xa5: {  	s26 =	simm.s32 $execute0_lowered;
	[smem:$0x3FD2] =	sst s25  }
0xa6: {  	s5 =	sshll.u32 s26, $0x1;
	_ =	strace $0x80000046;
	[dreg:$0x1] =	wrdreg $0xFFFFFFFF  }
0xa7: {  	s28 =	simm.s32 $_size_execute0_lowered;
	s3 =	sadd.s32 s3, s5;
	[dreg:$0x0] =	wrdreg $0x0  }
0xa8: {  	s5 =	sshll.u32 s28, $0x1;
	[dreg:$0x2] =	wrdreg s3  }
0xa9: {  	[dreg:$0x3] =	wrdreg s5  }
0xaa: {  	[dreg:$0x4] =	wrdreg $0xC0  }
0xab: {  	_ =	task [dreg:s7], $0x5FFFF  }
0xac: {  	[dreg:$0x1] =	wrdreg $0xFFFFFFFF  }
0xad: {  	[dreg:$0x0] =	wrdreg $0x60  }
0xae: {  	[dreg:$0x2] =	wrdreg s2  }
0xaf: {  	[dreg:$0x3] =	wrdreg s24  }
0xb0: {  	[dreg:$0x4] =	wrdreg $0x30000  }
0xb1: {  	[dreg:$0x5] =	wrdreg $0x9  }
0xb2: {  	_ =	task.clear_ibuf [dreg:s7], $0x6FFFF;
	_ =	strace $0x90000046  }
0xb3: {  	s29 =	simm.s32 $0x9;
	_ =	strace $0x80000048  }
0xb4: {  	_ =	swait.ge [sflag:s29], $0x1  }
0xb5: {  	[sflag:s29] =	ssyncadd.s32 $0xFFFFFFFF  }
0xb6: {  	_ =	strace $0x90000048  }
0xb7: {  	_ =	sfence  }
0xb8: {  	s30 =	sld [smem:$0x0];
	_ =	sdelay $0x2  }
0xb9: {  	s31 =	sshll.u32 s1, $0xD;
	s1 =	sshrl.u32 s1, $0x2  }
0xba: {  	s3 =	sand.u32 $0x4000, s31;
	s1 =	sadd.s32 s1, s30  }
0xbb: {  	s0 =	sor.u32 s3, s0;
	s1 =	sshll.u32 s1, $0x11  }
0xbc: {  	s0 =	sor.u32 s1, s0  }
0xbd: {  	s0 =	sadd.s32 $0x8F2B, s0  }
0xbe: {  	[sflag:s0] =	ssyncadd.remote.s32 $0x1  }
0xbf: {  	_ =	sfence.sel $0xFFFF  }
0xc0: {  	[dreg:$0x0] =	wrdreg $0xFFFFFFFF;
	(pc) =	sbr.abs _section_cstart, $3  }
0xc1: {  	[dreg:$0x1] =	wrdreg $0xFFFFFFFF  }
0xc2: {  	_ =	task.clear_ibuf [dreg:s7], $0x2FFFF;
	_ =	strace $0x9FFFFFFF  }
0xc3: {  	(tm) =	ssettm $0x7FFFFFFF  }
tec
execute0_lowered:
.L_overlay_start_1:
0x0: {  	(tag) =	ssettag $0x1  }
0x1: {  	s1 =	rddreg [dreg:$0x0]  }
0x2: {  	s6 =	rddreg [dreg:$0x1]  }
0x3: {  	s3 =	rddreg [dreg:$0x2]  }
0x4: {  	s0 =	rddreg [dreg:$0x3]  }
0x5: {  	s4 =	srdreg.scid;
	s2 =	stileid.u32;
	s12 =	simm.s32 $0x80  }
0x6: {  	s13 =	simm.s32 $0x100;
	s14 =	simm.s32 $0x180;
	s15 =	simm.s32 $0x1  }
0x7: {  	s16 =	simm.s32 $0x2;
	s17 =	simm.s32 $0x0;
	s5 =	sand.u32 $0x1, s4  }
0x8: {  	s7 =	sshll.u32 s2, $0x1;
	s8 =	smul.u32 $0x2800, s2;
	s4 =	simm.s32 $0x0  }
0x9: {  	s31 =	sshll.u32 s2, $0x6;
	s7 =	sor.u32 s5, s7;
	s9 =	smul.u32 $0x28000, s5  }
0xa: {  	[smem:$0x7FF] =	sst s4;
	s10 =	ssub.s32 $0x2, s5;
	s5 =	sadd.s32 $0xCA00, s6  }
0xb: {  	s7 =	smul.u32 $0x500, s7;
	_ =	strace $0x80000047;
	s9 =	sadd.s32 s8, s9  }
0xc: {  	s30 =	sshrl.u32 s10, $0x1;
	s11 =	sadd.s32 s8, s3;
	s9 =	sshrl.u32 s9, $0x3  }
0xd: {  	s10 =	ssub.s32 s10, s30;
	s7 =	sadd.s32 s7, s6;
	s9 =	sadd.s32 s9, s6  }
0xe: {  	s6 =	sor.u32 $0x1C02, s31;
	s7 =	sadd.s32 $0x2A00, s7;
	s8 =	sadd.s32 $0xD000, s9  }
0xf: {  	s9 =	smax.u32 s10, $0x1;
	s10 =	sshrl.u32 s11, $0x3;
	s11 =	simm.s32 $0x2800  }
.LBB2_1:
0x10: {  	[spmem:s10], [sflag:s6] =	dma.local [hbm:s5], $0x500  }
0x11: {  	_ =	swait.ge [sflag:s16], $0x500  }
0x12: {  	[sflag:s16] =	ssyncset.done $0x0  }
0x13: {  	[sflag:s16] =	ssyncadd.s32 $0xFFFFFB00  }
0x14: {  	[tilespmem:s11], [sflag:$0x2] =	stream.linear.gather [hbm4b:s1+s4], $0x800, $0x38;
	[tilespmem:$0x5800] =	vst v63  }
0x15: {  	_ =	swait.ge [sflag:s16], $0x800  }
0x16: {  	[sflag:s16] =	ssyncset.done $0x0  }
0x17: {  	[sflag:s16] =	ssyncadd.s32 $0xFFFFF800  }
0x18: {  	[tilespmem:s4], [sflag:$0x2] =	stream.linear.gather [hbm4b:s7+s4], $0x2800, $0x38;
	[tilespmem:$0x5800] =	vst v63  }
0x19: {  	_ =	swait.ge [sflag:s16], $0x2800  }
0x1a: {  	[sflag:s16] =	ssyncset.done $0x0  }
0x1b: {  	[sflag:s16] =	ssyncadd.s32 $0xFFFFD800  }
0x1c: {  	[bflag:$0x0] =	sbarrier.arrive $0xFFFF  }
0x1d: {  	[spmem:s3] =	stream.indirect.scatter.add.f32 [tilespmem:s11], [sflag:$0x1], $0x10, s4, s12, $0xb8;
	[tilespmem:$0x5800] =	vst v63  }
0x1e: {  	_ = 	snop  }
0x1f: {  	[spmem:s3] =	stream.indirect.scatter.add.f32 [tilespmem:s11], [sflag:$0x1], $0x10, s12, s12, $0xb8;
	[tilespmem:$0x5800] =	vst v63  }
0x20: {  	_ = 	snop  }
0x21: {  	[spmem:s3] =	stream.indirect.scatter.add.f32 [tilespmem:s11], [sflag:$0x1], $0x10, s13, s12, $0xb8;
	[tilespmem:$0x5800] =	vst v63  }
0x22: {  	_ = 	snop  }
0x23: {  	[spmem:s3] =	stream.indirect.scatter.add.f32 [tilespmem:s11], [sflag:$0x1], $0x10, s14, s12, $0xb8;
	[tilespmem:$0x5800] =	vst v63  }
0x24: {  	_ =	swait.ge [sflag:s15], $0x800  }
0x25: {  	[sflag:s15] =	ssyncset.done $0x0  }
0x26: {  	s18 =	simm.s32 $0x200;
	[sflag:s15] =	ssyncadd.s32 $0xFFFFF800  }
0x27: {  	[spmem:s3] =	stream.indirect.scatter.add.f32 [tilespmem:s11], [sflag:$0x1], $0x10, s18, s12, $0xb8;
	[tilespmem:$0x5800] =	vst v63  }
0x28: {  	_ =	swait.ge [sflag:s15], $0x800  }
0x29: {  	[sflag:s15] =	ssyncset.done $0x0  }
0x2a: {  	s31 =	simm.s32 $0x280;
	[sflag:s15] =	ssyncadd.s32 $0xFFFFF800  }
0x2b: {  	[spmem:s3] =	stream.indirect.scatter.add.f32 [tilespmem:s11], [sflag:$0x1], $0x10, s31, s12, $0xb8;
	[tilespmem:$0x5800] =	vst v63  }
0x2c: {  	_ =	swait.ge [sflag:s15], $0x800  }
0x2d: {  	s19 =	simm.s32 $0x6;
	s18 =	simm.s32 $0x380;
	[sflag:s15] =	ssyncset.done $0x0  }
.LBB2_2:
0x2e: {  	s19 =	sadd.s32 $0x2, s19;
	s20 =	sadd.s32 $0xFFFFFF80, s18;
	[sflag:s15] =	ssyncadd.s32 $0xFFFFF800  }
0x2f: {  	[spmem:s3] =	stream.indirect.scatter.add.f32 [tilespmem:s11], [sflag:$0x1], $0x10, s20, s12, $0xb8;
	[tilespmem:$0x5800] =	vst v63  }
0x30: {  	p0 =	slt.u32 s19, $0x4E;
	_ =	swait.ge [sflag:s15], $0x800  }
.Ltmp0:
0x31: {  	[sflag:s15] =	ssyncset.done $0x0;
	(pc) =	sbr.rel @p0 .LBB2_2-.Ltmp0, $4  }
0x32: {  	[sflag:s15] =	ssyncadd.s32 $0xFFFFF800  }
0x33: {  	[spmem:s3] =	stream.indirect.scatter.add.f32 [tilespmem:s11], [sflag:$0x1], $0x10, s18, s12, $0xb8;
	[tilespmem:$0x5800] =	vst v63  }
0x34: {  	_ =	swait.ge [sflag:s15], $0x800  }
0x35: {  	s18 =	sadd.s32 $0x100, s18;
	[sflag:s15] =	ssyncset.done $0x0  }
0x36: {  	s19 =	sadd.s32 $0xFFFFFF80, s18;
	[sflag:s15] =	ssyncadd.s32 $0xFFFFF800  }
0x37: {  	[spmem:s3] =	stream.indirect.scatter.add.f32 [tilespmem:s11], [sflag:$0x1], $0x10, s19, s12, $0xb8;
	[tilespmem:$0x5800] =	vst v63  }
0x38: {  	_ =	swait.ge [sflag:s15], $0x800  }
0x39: {  	[sflag:s15] =	ssyncset.done $0x0  }
0x3a: {  	[sflag:s15] =	ssyncadd.s32 $0xFFFFF800  }
0x3b: {  	[spmem:s3] =	stream.indirect.scatter.add.f32 [tilespmem:s11], [sflag:$0x1], $0x10, s18, s12, $0xb8;
	[tilespmem:$0x5800] =	vst v63  }
0x3c: {  	_ =	swait.ge [sflag:s15], $0x800  }
0x3d: {  	[sflag:s15] =	ssyncset.done $0x0  }
0x3e: {  	[sflag:s15] =	ssyncadd.s32 $0xFFFFF800  }
0x3f: {  	_ =	swait.ge [sflag:s15], $0x800  }
0x40: {  	[sflag:s15] =	ssyncset.done $0x0  }
0x41: {  	[sflag:s15] =	ssyncadd.s32 $0xFFFFF800  }
0x42: {  	_ =	swait.ge [sflag:s15], $0x800  }
0x43: {  	[sflag:s15] =	ssyncset.done $0x0  }
0x44: {  	[sflag:s15] =	ssyncadd.s32 $0xFFFFF800  }
0x45: {  	_ =	swait.ge [sflag:s15], $0x800  }
0x46: {  	s17 =	sadd.s32 $0x1, s17;
	[sflag:s15] =	ssyncset.done $0x0  }
0x47: {  	p0 =	sne.s32 s17, s9;
	[sflag:s15] =	ssyncadd.s32 $0xFFFFF800  }
.Ltmp1:
0x48: {  	[bflag:$0x0] =	sbarrier.arrive $0xFFFF;
	(pc) =	sbr.rel @p0 .LBB2_1-.Ltmp1, $4  }
0x49: {  	[hbm:s8], [sflag:s6] =	dma.local [spmem:s10], $0x500  }
0x4a: {  	_ =	swait.ge [sflag:s16], $0x500  }
0x4b: {  	[sflag:s16] =	ssyncset.done $0x0  }
0x4c: {  	[sflag:s16] =	ssyncadd.s32 $0xFFFFFB00  }
0x4d: {  	_ =	sfence.sel $0x180000  }
0x4e: {  	[bflag:$0x0] =	sbarrier.arrive $0xFFFF  }
0x4f: {  	p0 =	sne.s32 s2, $0x0;
	_ =	strace $0x90000047  }
0x50: {  	s0 =	sadd.s32 @!p0 $0x100000, s0;
	[bflag:$0x2] =	sbarrier.arrive $0xFFFF  }
0x51: {  	[sflag:s0] =	ssyncadd.tile.s32 @!p0 $0x1;
	_ =	shalt  }
.Lfunc_end2:
_tile_overlayer_lowered:
.L_overlay_start_2:
0x52: {  	(tag) =	ssettag $0x2  }
0x53: {  	s0 =	rddreg [dreg:$0x0];
	s2 =	stileid.u32  }
0x54: {  	s1 =	rddreg [dreg:$0x1];
	p0 =	sne.s32 s2, $0x0  }
0x55: {  	s3 =	rddreg [dreg:$0x2];
	[bflag:$0x3] =	sbarrier.arrive $0xFFFF;
	s2 =	simm.s32 @!p0 $0x1C02  }
0x56: {  	[timem:s3], [sflag:s2] =	dma.local @!p0 [hbm:s0], s1  }
0x57: {  	s0 =	simm.s32 @!p0 $0x2  }
0x58: {  	_ =	swait.ge @!p0 [sflag:s0], s1  }
0x59: {  	s1 =	ssub.s32 @!p0 $0x0, s1;
	[sflag:s0] =	ssyncset.done @!p0 $0x0  }
0x5a: {  	[sflag:s0] =	ssyncadd.s32 @!p0 s1  }
0x5b: {  	[bflag:$0x3] =	sbarrier.arrive $0xFFFF  }
0x5c: {  	_ =	shalt  }

// kernel: kernel.13.cloned.1.call-start
scs
__scs_entry_jumppad:
0x0: {  	(pc) =	sbr.rel $0x88, $3  }
0x1: {  	(tag) =	ssettag $0x0;
	lr =	simm.s32 $0x1  }
0x2: {  	[smem:$0x3F99] =	sst lr;
	_ =	strace $0xD0000000  }
0x3: {  	_ = 	snop  }
0x4: {  	_ = 	snop  }
0x5: {  	_ = 	snop  }
0x6: {  	_ = 	snop  }
0x7: {  	_ = 	snop  }
__scs_overlays_trampoline_lowered:
0x8: {  	[smem:$0x3FA8] =	sst s0  }
0x9: {  	[smem:$0x3FA9] =	sst s1  }
0xa: {  	[smem:$0x3FAA] =	sst s2  }
0xb: {  	[smem:$0x3FAB] =	sst s3  }
0xc: {  	[smem:$0x3FAC] =	sst s4  }
0xd: {  	[smem:$0x3FAD] =	sst s5  }
0xe: {  	[smem:$0x3FAE] =	sst s6  }
0xf: {  	[smem:$0x3FAF] =	sst s7  }
0x10: {  	[smem:$0x3FB0] =	sst s8  }
0x11: {  	[smem:$0x3FB1] =	sst s9;
	s0 =	simm.s32 @!p0 $0x0  }
0x12: {  	s1 =	sld [smem:$0x3F97];
	s0 =	simm.s32 @p0 $0x1  }
0x13: {  	[smem:$0x3FB2] =	sst s0;
	s0 =	simm.s32 @!p1 $0x0  }
0x14: {  	s2 =	sld [smem:$0x3F96];
	s0 =	simm.s32 @p1 $0x1  }
0x15: {  	[smem:$0x3FB3] =	sst s0;
	s0 =	simm.s32 @!p2 $0x0  }
0x16: {  	s3 =	sld [smem:$0x3FDB];
	s0 =	simm.s32 @p2 $0x1  }
0x17: {  	s4 =	simm.s32 $0x1BF5;
	[smem:$0x3FB5] =	sst s0  }
0x18: {  	s0 =	sld [smem:$0x3F98];
	_ =	swait.ge [sflag:s4], $0x0  }
0x19: {  	s7 =	sld [smem:$0x3F99]  }
0x1a: {  	s8 =	sadd.s32 $0xFFFFE003, lr  }
0x1b: {  	s9 =	sadd.s32 $0xFFFFFEF7, lr;
	s5 =	simm.s32 $0xFFFFFFFF;
	p2 =	slt.u32 s8, $0xFFFFF086  }
0x1c: {  	p1 =	slt.u32 s9, $0xF7A;
	s5 =	simm.s32 @!p2 $0x0  }
0x1d: {  	s5 =	simm.s32 @p1 $0x1;
	p0 =	seq.s32 s7, s2  }
0x1e: {  	s7 =	smul.u32 @!p0 $0xF7A, s2;
	p2 =	seq.s32 @!p0 s5, $0x0  }
0x1f: {  	s9 =	smul.u32 $0xF7A, s1;
	s8 =	simm.s32 @!p0 $0x1BF5;
	p2 =	por !p2, p0  }
0x20: {  	[sflag:s8] =	ssyncset.s32 @!p0 $0xFFFFF086;
	s6 =	sadd.s32 @!p0 s3, s7;
	s7 =	simm.s32 @!p0 $0x108  }
0x21: {  	s3 =	sadd.s32 s3, s9;
	s6 =	sadd.s32 @!p0 $0x88, s6;
	s7 =	simm.s32 @p2 $0x1082  }
0x22: {  	[simem:s7], [sflag:s8] =	dma.local @!p0 [hbm:s6], $0xF7A  }
0x23: {  	s9 =	sor.u32 $0xD0000000, s2;
	s6 =	simm.s32 $0x108;
	_ =	swait.ge @!p0 [sflag:s8], $0x0  }
0x24: {  	s3 =	sadd.s32 $0x88, s3;
	s6 =	simm.s32 @!p1 $0x1082;
	[sflag:s4] =	ssyncset.s32 $0xFFFFF086  }
0x25: {  	[simem:s6], [sflag:s4] =	dma.local [hbm:s3], $0xF7A  }
0x26: {  	[smem:$0x3F99] =	sst s1;
	(tag) =	ssettag s2;
	_ =	strace s9  }
0x27: {  	s1 =	sld [smem:$0x3FA9]  }
0x28: {  	s2 =	sld [smem:$0x3FAA]  }
0x29: {  	s4 =	sld [smem:$0x3FAC]  }
0x2a: {  	p0 =	seq.s32 s5, $0x0;
	s5 =	sld [smem:$0x3FAD]  }
0x2b: {  	s6 =	sld [smem:$0x3FAE]  }
0x2c: {  	s7 =	sld [smem:$0x3FAF]  }
0x2d: {  	s3 =	simm.s32 $0x108;
	s8 =	sld [smem:$0x3FB0]  }
0x2e: {  	s3 =	simm.s32 @!p0 $0x1082;
	s9 =	sld [smem:$0x3FB1]  }
0x2f: {  	lr =	sadd.s32 s0, s3;
	s0 =	sld [smem:$0x3FA8]  }
0x30: {  	s3 =	sld [smem:$0x3FAB]  }
0x31: {  	[smem:$0x3FB4] =	sst s10  }
0x32: {  	s10 =	sld [smem:$0x3FB2];
	_ =	sdelay $0x3  }
0x33: {  	p0 =	seq.s32 s10, $0x1;
	s10 =	sld [smem:$0x3FB4];
	_ =	sdelay $0x3  }
0x34: {  	[smem:$0x3FB4] =	sst s10  }
0x35: {  	s10 =	sld [smem:$0x3FB3];
	_ =	sdelay $0x3  }
0x36: {  	p1 =	seq.s32 s10, $0x1;
	s10 =	sld [smem:$0x3FB4];
	_ =	sdelay $0x3  }
0x37: {  	[smem:$0x3FB4] =	sst s10  }
0x38: {  	s10 =	sld [smem:$0x3FB5]  }
0x39: {  	_ = 	snop;
	(pc) =	sbr.ind lr, $3  }
0x3a: {  	_ = 	snop  }
0x3b: {  	_ = 	snop  }
0x3c: {  	p2 =	seq.s32 s10, $0x1;
	s10 =	sld [smem:$0x3FB4]  }
0x3d: {  	_ =	shalt  }
0x3e: {  	_ =	shalt  }
0x3f: {  	_ =	shalt  }
0x40: {  	_ =	shalt  }
0x41: {  	_ =	shalt  }
0x42: {  	_ =	shalt  }
0x43: {  	_ =	shalt  }
0x44: {  	_ =	shalt  }
0x45: {  	_ =	shalt  }
0x46: {  	_ =	shalt  }
0x47: {  	_ =	shalt  }
0x48: {  	_ =	shalt  }
0x49: {  	_ =	shalt  }
0x4a: {  	_ =	shalt  }
0x4b: {  	_ =	shalt  }
0x4c: {  	_ =	shalt  }
0x4d: {  	_ =	shalt  }
0x4e: {  	_ =	shalt  }
0x4f: {  	_ =	shalt  }
0x50: {  	_ =	shalt  }
0x51: {  	_ =	shalt  }
0x52: {  	_ =	shalt  }
0x53: {  	_ =	shalt  }
0x54: {  	_ =	shalt  }
0x55: {  	_ =	shalt  }
0x56: {  	_ =	shalt  }
0x57: {  	_ =	shalt  }
0x58: {  	_ =	shalt  }
0x59: {  	_ =	shalt  }
0x5a: {  	_ =	shalt  }
0x5b: {  	_ =	shalt  }
0x5c: {  	_ =	shalt  }
0x5d: {  	_ =	shalt  }
0x5e: {  	_ =	shalt  }
0x5f: {  	_ =	shalt  }
0x60: {  	_ =	shalt  }
0x61: {  	_ =	shalt  }
0x62: {  	_ =	shalt  }
0x63: {  	_ =	shalt  }
0x64: {  	_ =	shalt  }
0x65: {  	_ =	shalt  }
0x66: {  	_ =	shalt  }
0x67: {  	_ =	shalt  }
0x68: {  	_ =	shalt  }
0x69: {  	_ =	shalt  }
0x6a: {  	_ =	shalt  }
0x6b: {  	_ =	shalt  }
0x6c: {  	_ =	shalt  }
0x6d: {  	_ =	shalt  }
0x6e: {  	_ =	shalt  }
0x6f: {  	_ =	shalt  }
0x70: {  	_ =	shalt  }
0x71: {  	_ =	shalt  }
0x72: {  	_ =	shalt  }
0x73: {  	_ =	shalt  }
0x74: {  	_ =	shalt  }
0x75: {  	_ =	shalt  }
0x76: {  	_ =	shalt  }
0x77: {  	_ =	shalt  }
0x78: {  	_ =	shalt  }
0x79: {  	_ =	shalt  }
0x7a: {  	_ =	shalt  }
0x7b: {  	_ =	shalt  }
0x7c: {  	_ =	shalt  }
0x7d: {  	_ =	shalt  }
0x7e: {  	_ =	shalt  }
0x7f: {  	_ =	shalt  }
0x80: {  	_ =	shalt  }
0x81: {  	_ =	shalt  }
0x82: {  	_ =	shalt  }
0x83: {  	_ =	shalt  }
0x84: {  	_ =	shalt  }
0x85: {  	_ =	shalt  }
0x86: {  	_ =	shalt  }
0x87: {  	_ =	shalt  }
.Lfunc_end0:
.L_simem_size_0:
called_computation.1_lowered:
.L_overlay_start_0:
0x88: {  	s2 =	sld [smem:$0x3FD9]  }
0x89: {  	s3 =	sld [smem:$0x3FFE];
	_ =	sdelay $0x1  }
0x8a: {  	s1 =	srdreg.scid  }
0x8b: {  	s0 =	sand.u32 $0x1, s1  }
0x8c: {  	s17 =	sshll.u32 s0, $0xA;
	s2 =	sadd.s32 s3, s2  }
0x8d: {  	s2 =	sadd.s32 s2, s17  }
0x8e: {  	[smem:$0x3FC0] =	sst s2  }
0x8f: {  	_ = 	snop  }
0x90: {  	s2 =	sld [smem:$0x3FD0];
	(tm) =	ssettm $0x1  }
0x91: {  	s18 =	sld [smem:$0x3FFB];
	_ =	sdelay $0x3  }
0x92: {  	_ =	strace s18  }
0x93: {  	s3 =	sld [smem:$0x3FFC];
	_ =	sdelay $0x3  }
0x94: {  	_ =	strace s3  }
0x95: {  	s3 =	sld [smem:$0x3FFD];
	_ =	sdelay $0x3  }
0x96: {  	_ =	strace s3  }
0x97: {  	_ =	strace $0x8FFFFFFF  }
0x98: {  	s19 =	sld [smem:$0x3FDB];
	_ =	sdelay $0x1  }
0x99: {  	s4 =	simm.s32 $_scs_section_size  }
0x9a: {  	s5 =	simm.s32 $_size__tile_overlayer_lowered;
	s6 =	simm.s32 $_tile_overlayer_lowered  }
0x9b: {  	s22 =	simm.s32 $0x1BFF;
	s21 =	sshll.u32 s6, $0x1;
	s3 =	sadd.s32 s4, s19  }
0x9c: {  	s7 =	simm.s32 $0x0;
	s20 =	sshll.u32 s5, $0x1;
	s5 =	sadd.s32 s21, s3  }
0x9d: {  	[timem:s7], [sflag:s22] =	dma.local [hbm:s5], s20  }
0x9e: {  	_ =	swait.ge [sflag:s22], s20  }
0x9f: {  	s4 =	ssub.s32 $0x0, s20;
	[sflag:s22] =	ssyncset.done $0x0  }
0xa0: {  	[sflag:s22] =	ssyncadd.s32 s4;
	_ =	sdelay $0x1  }
0xa1: {  	s23 =	simm.s32 $0x1B8B  }
0xa2: {  	_ =	swait.ge [sflag:s23], $0x1  }
0xa3: {  	[sflag:s23] =	ssyncset.done $0x0  }
0xa4: {  	s25 =	simm.s32 $0x1B8E;
	s24 =	sld [smem:$0x3FFE];
	[sflag:s23] =	ssyncadd.s32 $0xFFFFFFFF  }
0xa5: {  	s26 =	simm.s32 $execute0_lowered;
	[smem:$0x3FD2] =	sst s25  }
0xa6: {  	s5 =	sshll.u32 s26, $0x1;
	_ =	strace $0x80000049;
	[dreg:$0x1] =	wrdreg $0xFFFFFFFF  }
0xa7: {  	s28 =	simm.s32 $_size_execute0_lowered;
	s3 =	sadd.s32 s3, s5;
	[dreg:$0x0] =	wrdreg $0x0  }
0xa8: {  	s5 =	sshll.u32 s28, $0x1;
	[dreg:$0x2] =	wrdreg s3  }
0xa9: {  	[dreg:$0x3] =	wrdreg s5  }
0xaa: {  	[dreg:$0x4] =	wrdreg $0xC0  }
0xab: {  	_ =	task [dreg:s7], $0x5FFFF  }
0xac: {  	[dreg:$0x1] =	wrdreg $0xFFFFFFFF  }
0xad: {  	[dreg:$0x0] =	wrdreg $0x60  }
0xae: {  	[dreg:$0x2] =	wrdreg s24  }
0xaf: {  	[dreg:$0x3] =	wrdreg s2  }
0xb0: {  	[dreg:$0x4] =	wrdreg $0x150000  }
0xb1: {  	[dreg:$0x5] =	wrdreg $0xB0000  }
0xb2: {  	[dreg:$0x6] =	wrdreg $0x9  }
0xb3: {  	_ =	task.clear_ibuf [dreg:s7], $0x7FFFF;
	_ =	strace $0x90000049  }
0xb4: {  	s29 =	simm.s32 $0x9;
	_ =	strace $0x8000004B  }
0xb5: {  	_ =	swait.ge [sflag:s29], $0x1  }
0xb6: {  	[sflag:s29] =	ssyncadd.s32 $0xFFFFFFFF  }
0xb7: {  	_ =	strace $0x9000004B  }
0xb8: {  	_ =	sfence  }
0xb9: {  	s30 =	sld [smem:$0x0];
	_ =	sdelay $0x2  }
0xba: {  	s31 =	sshll.u32 s1, $0xD;
	s1 =	sshrl.u32 s1, $0x2  }
0xbb: {  	s3 =	sand.u32 $0x4000, s31;
	s1 =	sadd.s32 s1, s30  }
0xbc: {  	s0 =	sor.u32 s3, s0;
	s1 =	sshll.u32 s1, $0x11  }
0xbd: {  	s0 =	sor.u32 s1, s0  }
0xbe: {  	s0 =	sadd.s32 $0x8F2B, s0  }
0xbf: {  	[sflag:s0] =	ssyncadd.remote.s32 $0x1  }
0xc0: {  	_ =	sfence.sel $0xFFFF  }
0xc1: {  	[dreg:$0x0] =	wrdreg $0xFFFFFFFF;
	(pc) =	sbr.abs _section_cstart, $3  }
0xc2: {  	[dreg:$0x1] =	wrdreg $0xFFFFFFFF  }
0xc3: {  	_ =	task.clear_ibuf [dreg:s7], $0x2FFFF;
	_ =	strace $0x9FFFFFFF  }
0xc4: {  	(tm) =	ssettm $0x7FFFFFFF  }
0xc5: {  	_ =	shalt  }
tec
execute0_lowered:
.L_overlay_start_1:
0x0: {  	(tag) =	ssettag $0x1  }
0x1: {  	s6 =	rddreg [dreg:$0x0]  }
0x2: {  	s2 =	rddreg [dreg:$0x1]  }
0x3: {  	s3 =	rddreg [dreg:$0x2]  }
0x4: {  	s4 =	rddreg [dreg:$0x3]  }
0x5: {  	s0 =	rddreg [dreg:$0x4]  }
0x6: {  	s1 =	stileid.u32;
	s5 =	srdreg.scid  }
0x7: {  	s16 =	simm.s32 $0x5000;
	s17 =	simm.s32 $0x7000;
	s18 =	simm.s32 $0x1  }
0x8: {  	s19 =	simm.s32 $0x2;
	s20 =	simm.s32 $0x0;
	s7 =	smul.u32 $0xA000, s1  }
0x9: {  	s8 =	sand.u32 $0x1, s5;
	s9 =	sshll.u32 s1, $0x1;
	s5 =	simm.s32 $0x0  }
0xa: {  	s12 =	sshll.u32 s1, $0x6;
	s9 =	sor.u32 s8, s9;
	s10 =	smul.u32 $0xA0000, s8  }
0xb: {  	[smem:$0x7FF] =	sst s5;
	s8 =	ssub.s32 $0x2, s8;
	s11 =	sshrl.u32 s7, $0x3  }
0xc: {  	s9 =	smul.u32 $0x500, s9;
	_ =	strace $0x8000004A;
	s31 =	sshrl.u32 s8, $0x1  }
0xd: {  	s14 =	sadd.s32 s7, s3;
	s15 =	sadd.s32 s7, s4;
	s11 =	sadd.s32 s11, s6  }
0xe: {  	s10 =	sadd.s32 s7, s10;
	s13 =	ssub.s32 s8, s31;
	s9 =	sadd.s32 s9, s6  }
0xf: {  	s10 =	sshrl.u32 s10, $0x3;
	s7 =	sadd.s32 $0x21000, s11;
	s11 =	smax.u32 s13, $0x1  }
0x10: {  	s13 =	simm.s32 $0x3;
	s10 =	sadd.s32 s10, s6;
	s6 =	sor.u32 $0x1C03, s12  }
0x11: {  	s8 =	sadd.s32 $0x17000, s9;
	s9 =	sadd.s32 $0x2A00, s9;
	s12 =	sshrl.u32 s14, $0x3  }
0x12: {  	s14 =	sshrl.u32 s15, $0x3;
	s15 =	simm.s32 $0x80;
	s10 =	sadd.s32 $0x35000, s10  }
.LBB2_1:
0x13: {  	[spmem:s12], [sflag:s6] =	dma.local [hbm:s2], $0x1400  }
0x14: {  	_ =	swait.ge [sflag:s13], $0x1400  }
0x15: {  	[sflag:s13] =	ssyncset.done $0x0  }
0x16: {  	[sflag:s13] =	ssyncadd.s32 $0xFFFFEC00  }
0x17: {  	[spmem:s14], [sflag:s6] =	dma.local [hbm:s7], $0x1400  }
0x18: {  	_ =	swait.ge [sflag:s13], $0x1400  }
0x19: {  	[sflag:s13] =	ssyncset.done $0x0  }
0x1a: {  	[sflag:s13] =	ssyncadd.s32 $0xFFFFEC00  }
0x1b: {  	[tilespmem:s5], [sflag:$0x3] =	stream.linear.gather [hbm4b:s8+s5], $0x2800, $0x38;
	[tilespmem:$0x1F000] =	vst v63  }
0x1c: {  	_ =	swait.ge [sflag:s13], $0x2800  }
0x1d: {  	[sflag:s13] =	ssyncset.done $0x0  }
0x1e: {  	s21 =	simm.s32 $0x2800;
	[sflag:s13] =	ssyncadd.s32 $0xFFFFD800  }
0x1f: {  	[tilespmem:s21], [sflag:$0x3] =	stream.linear.gather [hbm4b:s9+s5], $0x2800, $0x38;
	[tilespmem:$0x1F000] =	vst v63  }
0x20: {  	_ =	swait.ge [sflag:s13], $0x2800  }
0x21: {  	[sflag:s13] =	ssyncset.done $0x0  }
0x22: {  	[sflag:s13] =	ssyncadd.s32 $0xFFFFD800  }
0x23: {  	[bflag:$0x0] =	sbarrier.arrive $0xFFFF  }
0x24: {  	[tilespmem:s16], [sflag:$0x1] =	stream.indirect.gather [spmem:s4], $0x40, s5, s15, $0xb8;
	[tilespmem:$0x1F000] =	vst v63  }
0x25: {  	s22 =	simm.s32 $0x100;
	s23 =	simm.s32 $0x0  }
0x26: {  	[tilespmem:s17], [sflag:$0x1] =	stream.indirect.gather [spmem:s4], $0x40, s15, s15, $0xb8;
	[tilespmem:$0x1F000] =	vst v63  }
.LBB2_2:
0x27: {  	s24 =	smul.u32 $0xAB, s23;
	_ =	sdelay $0x1  }
0x28: {  	s24 =	sshrl.u32 s24, $0x9  }
0x29: {  	s24 =	sand.u32 $0x7F, s24  }
0x2a: {  	s24 =	smul.u32 $0x3, s24;
	_ =	sdelay $0x1  }
0x2b: {  	s24 =	ssub.s32 s23, s24  }
0x2c: {  	_ =	swait.ge [sflag:s18], $0x2000;
	s24 =	sand.u32 $0xFF, s24  }
0x2d: {  	[sflag:s18] =	ssyncset.done $0x0;
	s24 =	sshll.u32 s24, $0xD  }
0x2e: {  	p0 =	seq.s32 s23, $0x0;
	[sflag:s18] =	ssyncadd.s32 $0xFFFFE000;
	s24 =	sadd.s32 $0x5000, s24  }
0x2f: {  	[spmem:s3] =	stream.indirect.scatter.add.f32 [tilespmem:s24], [sflag:$0x2], $0x40, s21, s15, $0xb8;
	[tilespmem:$0x1F000] =	vst v63  }
0x30: {  	s24 =	simm.s32 @!p0 $0x2  }
0x31: {  	p1 =	sgt.u32 @!p0 s23, $0x4D;
	_ =	swait.ge @!p0 [sflag:s24], $0x2000  }
0x32: {  	p1 =	por p0, !p1;
	[sflag:s24] =	ssyncset.done @!p0 $0x0  }
0x33: {  	[sflag:s24] =	ssyncadd.s32 @!p0 $0xFFFFE000;
	s24 =	sadd.s32 @p1 $0x2, s23  }
0x34: {  	s25 =	smul.u32 @p1 $0xAB, s24;
	_ =	sdelay $0x1  }
0x35: {  	s25 =	sshrl.u32 @p1 s25, $0x9  }
0x36: {  	s25 =	sand.u32 @p1 $0x7F, s25  }
0x37: {  	s25 =	smul.u32 @p1 $0x3, s25  }
0x38: {  	s23 =	sadd.s32 $0x1, s23  }
0x39: {  	p0 =	sne.s32 s23, $0x50;
	s24 =	ssub.s32 @p1 s24, s25  }
.Ltmp0:
0x3a: {  	s24 =	sand.u32 @p1 $0xFF, s24;
	(pc) =	sbr.rel @p0 .LBB2_2-.Ltmp0, $4  }
0x3b: {  	s24 =	sshll.u32 @p1 s24, $0xD  }
0x3c: {  	s24 =	sadd.s32 @p1 $0x5000, s24  }
0x3d: {  	[tilespmem:s24], [sflag:$0x1] =	stream.indirect.gather @p1 [spmem:s4], $0x40, s22, s15, $0xb8;
	[tilespmem:$0x1F000] =	vst v63  }
0x3e: {  	s21 =	sadd.s32 $0x80, s21;
	s22 =	sadd.s32 $0x80, s22  }
0x3f: {  	_ =	swait.ge [sflag:s19], $0x2000  }
0x40: {  	s20 =	sadd.s32 $0x1, s20;
	[sflag:s19] =	ssyncset.done $0x0  }
0x41: {  	p0 =	sne.s32 s20, s11;
	[sflag:s19] =	ssyncadd.s32 $0xFFFFE000  }
.Ltmp1:
0x42: {  	[bflag:$0x0] =	sbarrier.arrive $0xFFFF;
	(pc) =	sbr.rel @p0 .LBB2_1-.Ltmp1, $4  }
0x43: {  	[hbm:s10], [sflag:s6] =	dma.local [spmem:s12], $0x1400  }
0x44: {  	_ =	swait.ge [sflag:s13], $0x1400  }
0x45: {  	[sflag:s13] =	ssyncset.done $0x0  }
0x46: {  	[sflag:s13] =	ssyncadd.s32 $0xFFFFEC00  }
0x47: {  	_ =	sfence.sel $0x180000  }
0x48: {  	[bflag:$0x0] =	sbarrier.arrive $0xFFFF  }
0x49: {  	p0 =	sne.s32 s1, $0x0;
	_ =	strace $0x9000004A  }
0x4a: {  	s0 =	sadd.s32 @!p0 $0x100000, s0;
	[bflag:$0x2] =	sbarrier.arrive $0xFFFF  }
0x4b: {  	[sflag:s0] =	ssyncadd.tile.s32 @!p0 $0x1;
	_ =	shalt  }
.Lfunc_end2:
_tile_overlayer_lowered:
.L_overlay_start_2:
0x4c: {  	(tag) =	ssettag $0x2  }
0x4d: {  	s0 =	rddreg [dreg:$0x0];
	s2 =	stileid.u32  }
0x4e: {  	s1 =	rddreg [dreg:$0x1];
	p0 =	sne.s32 s2, $0x0  }
0x4f: {  	s3 =	rddreg [dreg:$0x2];
	[bflag:$0x3] =	sbarrier.arrive $0xFFFF;
	s2 =	simm.s32 @!p0 $0x1C03  }
0x50: {  	[timem:s3], [sflag:s2] =	dma.local @!p0 [hbm:s0], s1  }
0x51: {  	s0 =	simm.s32 @!p0 $0x3  }
0x52: {  	_ =	swait.ge @!p0 [sflag:s0], s1  }
0x53: {  	s1 =	ssub.s32 @!p0 $0x0, s1;
	[sflag:s0] =	ssyncset.done @!p0 $0x0  }
0x54: {  	[sflag:s0] =	ssyncadd.s32 @!p0 s1  }
0x55: {  	[bflag:$0x3] =	sbarrier.arrive $0xFFFF  }
0x56: {  	_ =	shalt  }

// kernel: kernel.16.cloned.1.call-start
scs
__scs_entry_jumppad:
0x0: {  	(pc) =	sbr.rel $0x88, $3  }
0x1: {  	(tag) =	ssettag $0x0;
	lr =	simm.s32 $0x1  }
0x2: {  	[smem:$0x3F99] =	sst lr;
	_ =	strace $0xD0000000  }
0x3: {  	_ = 	snop  }
0x4: {  	_ = 	snop  }
0x5: {  	_ = 	snop  }
0x6: {  	_ = 	snop  }
0x7: {  	_ = 	snop  }
__scs_overlays_trampoline_lowered:
0x8: {  	[smem:$0x3FA8] =	sst s0  }
0x9: {  	[smem:$0x3FA9] =	sst s1  }
0xa: {  	[smem:$0x3FAA] =	sst s2  }
0xb: {  	[smem:$0x3FAB] =	sst s3  }
0xc: {  	[smem:$0x3FAC] =	sst s4  }
0xd: {  	[smem:$0x3FAD] =	sst s5  }
0xe: {  	[smem:$0x3FAE] =	sst s6  }
0xf: {  	[smem:$0x3FAF] =	sst s7  }
0x10: {  	[smem:$0x3FB0] =	sst s8  }
0x11: {  	[smem:$0x3FB1] =	sst s9;
	s0 =	simm.s32 @!p0 $0x0  }
0x12: {  	s1 =	sld [smem:$0x3F97];
	s0 =	simm.s32 @p0 $0x1  }
0x13: {  	[smem:$0x3FB2] =	sst s0;
	s0 =	simm.s32 @!p1 $0x0  }
0x14: {  	s2 =	sld [smem:$0x3F96];
	s0 =	simm.s32 @p1 $0x1  }
0x15: {  	[smem:$0x3FB3] =	sst s0;
	s0 =	simm.s32 @!p2 $0x0  }
0x16: {  	s3 =	sld [smem:$0x3FDB];
	s0 =	simm.s32 @p2 $0x1  }
0x17: {  	s4 =	simm.s32 $0x1BF5;
	[smem:$0x3FB5] =	sst s0  }
0x18: {  	s0 =	sld [smem:$0x3F98];
	_ =	swait.ge [sflag:s4], $0x0  }
0x19: {  	s7 =	sld [smem:$0x3F99]  }
0x1a: {  	s8 =	sadd.s32 $0xFFFFE003, lr  }
0x1b: {  	s9 =	sadd.s32 $0xFFFFFEF7, lr;
	s5 =	simm.s32 $0xFFFFFFFF;
	p2 =	slt.u32 s8, $0xFFFFF086  }
0x1c: {  	p1 =	slt.u32 s9, $0xF7A;
	s5 =	simm.s32 @!p2 $0x0  }
0x1d: {  	s5 =	simm.s32 @p1 $0x1;
	p0 =	seq.s32 s7, s2  }
0x1e: {  	s7 =	smul.u32 @!p0 $0xF7A, s2;
	p2 =	seq.s32 @!p0 s5, $0x0  }
0x1f: {  	s9 =	smul.u32 $0xF7A, s1;
	s8 =	simm.s32 @!p0 $0x1BF5;
	p2 =	por !p2, p0  }
0x20: {  	[sflag:s8] =	ssyncset.s32 @!p0 $0xFFFFF086;
	s6 =	sadd.s32 @!p0 s3, s7;
	s7 =	simm.s32 @!p0 $0x108  }
0x21: {  	s3 =	sadd.s32 s3, s9;
	s6 =	sadd.s32 @!p0 $0x88, s6;
	s7 =	simm.s32 @p2 $0x1082  }
0x22: {  	[simem:s7], [sflag:s8] =	dma.local @!p0 [hbm:s6], $0xF7A  }
0x23: {  	s9 =	sor.u32 $0xD0000000, s2;
	s6 =	simm.s32 $0x108;
	_ =	swait.ge @!p0 [sflag:s8], $0x0  }
0x24: {  	s3 =	sadd.s32 $0x88, s3;
	s6 =	simm.s32 @!p1 $0x1082;
	[sflag:s4] =	ssyncset.s32 $0xFFFFF086  }
0x25: {  	[simem:s6], [sflag:s4] =	dma.local [hbm:s3], $0xF7A  }
0x26: {  	[smem:$0x3F99] =	sst s1;
	(tag) =	ssettag s2;
	_ =	strace s9  }
0x27: {  	s1 =	sld [smem:$0x3FA9]  }
0x28: {  	s2 =	sld [smem:$0x3FAA]  }
0x29: {  	s4 =	sld [smem:$0x3FAC]  }
0x2a: {  	p0 =	seq.s32 s5, $0x0;
	s5 =	sld [smem:$0x3FAD]  }
0x2b: {  	s6 =	sld [smem:$0x3FAE]  }
0x2c: {  	s7 =	sld [smem:$0x3FAF]  }
0x2d: {  	s3 =	simm.s32 $0x108;
	s8 =	sld [smem:$0x3FB0]  }
0x2e: {  	s3 =	simm.s32 @!p0 $0x1082;
	s9 =	sld [smem:$0x3FB1]  }
0x2f: {  	lr =	sadd.s32 s0, s3;
	s0 =	sld [smem:$0x3FA8]  }
0x30: {  	s3 =	sld [smem:$0x3FAB]  }
0x31: {  	[smem:$0x3FB4] =	sst s10  }
0x32: {  	s10 =	sld [smem:$0x3FB2];
	_ =	sdelay $0x3  }
0x33: {  	p0 =	seq.s32 s10, $0x1;
	s10 =	sld [smem:$0x3FB4];
	_ =	sdelay $0x3  }
0x34: {  	[smem:$0x3FB4] =	sst s10  }
0x35: {  	s10 =	sld [smem:$0x3FB3];
	_ =	sdelay $0x3  }
0x36: {  	p1 =	seq.s32 s10, $0x1;
	s10 =	sld [smem:$0x3FB4];
	_ =	sdelay $0x3  }
0x37: {  	[smem:$0x3FB4] =	sst s10  }
0x38: {  	s10 =	sld [smem:$0x3FB5]  }
0x39: {  	_ = 	snop;
	(pc) =	sbr.ind lr, $3  }
0x3a: {  	_ = 	snop  }
0x3b: {  	_ = 	snop  }
0x3c: {  	p2 =	seq.s32 s10, $0x1;
	s10 =	sld [smem:$0x3FB4]  }
0x3d: {  	_ =	shalt  }
0x3e: {  	_ =	shalt  }
0x3f: {  	_ =	shalt  }
0x40: {  	_ =	shalt  }
0x41: {  	_ =	shalt  }
0x42: {  	_ =	shalt  }
0x43: {  	_ =	shalt  }
0x44: {  	_ =	shalt  }
0x45: {  	_ =	shalt  }
0x46: {  	_ =	shalt  }
0x47: {  	_ =	shalt  }
0x48: {  	_ =	shalt  }
0x49: {  	_ =	shalt  }
0x4a: {  	_ =	shalt  }
0x4b: {  	_ =	shalt  }
0x4c: {  	_ =	shalt  }
0x4d: {  	_ =	shalt  }
0x4e: {  	_ =	shalt  }
0x4f: {  	_ =	shalt  }
0x50: {  	_ =	shalt  }
0x51: {  	_ =	shalt  }
0x52: {  	_ =	shalt  }
0x53: {  	_ =	shalt  }
0x54: {  	_ =	shalt  }
0x55: {  	_ =	shalt  }
0x56: {  	_ =	shalt  }
0x57: {  	_ =	shalt  }
0x58: {  	_ =	shalt  }
0x59: {  	_ =	shalt  }
0x5a: {  	_ =	shalt  }
0x5b: {  	_ =	shalt  }
0x5c: {  	_ =	shalt  }
0x5d: {  	_ =	shalt  }
0x5e: {  	_ =	shalt  }
0x5f: {  	_ =	shalt  }
0x60: {  	_ =	shalt  }
0x61: {  	_ =	shalt  }
0x62: {  	_ =	shalt  }
0x63: {  	_ =	shalt  }
0x64: {  	_ =	shalt  }
0x65: {  	_ =	shalt  }
0x66: {  	_ =	shalt  }
0x67: {  	_ =	shalt  }
0x68: {  	_ =	shalt  }
0x69: {  	_ =	shalt  }
0x6a: {  	_ =	shalt  }
0x6b: {  	_ =	shalt  }
0x6c: {  	_ =	shalt  }
0x6d: {  	_ =	shalt  }
0x6e: {  	_ =	shalt  }
0x6f: {  	_ =	shalt  }
0x70: {  	_ =	shalt  }
0x71: {  	_ =	shalt  }
0x72: {  	_ =	shalt  }
0x73: {  	_ =	shalt  }
0x74: {  	_ =	shalt  }
0x75: {  	_ =	shalt  }
0x76: {  	_ =	shalt  }
0x77: {  	_ =	shalt  }
0x78: {  	_ =	shalt  }
0x79: {  	_ =	shalt  }
0x7a: {  	_ =	shalt  }
0x7b: {  	_ =	shalt  }
0x7c: {  	_ =	shalt  }
0x7d: {  	_ =	shalt  }
0x7e: {  	_ =	shalt  }
0x7f: {  	_ =	shalt  }
0x80: {  	_ =	shalt  }
0x81: {  	_ =	shalt  }
0x82: {  	_ =	shalt  }
0x83: {  	_ =	shalt  }
0x84: {  	_ =	shalt  }
0x85: {  	_ =	shalt  }
0x86: {  	_ =	shalt  }
0x87: {  	_ =	shalt  }
.Lfunc_end0:
.L_simem_size_0:
called_computation.2_lowered:
.L_overlay_start_0:
0x88: {  	s2 =	sld [smem:$0x3FD9]  }
0x89: {  	s3 =	sld [smem:$0x3FFE];
	_ =	sdelay $0x1  }
0x8a: {  	s1 =	srdreg.scid  }
0x8b: {  	s0 =	sand.u32 $0x1, s1  }
0x8c: {  	s17 =	sshll.u32 s0, $0xA;
	s2 =	sadd.s32 s3, s2  }
0x8d: {  	s2 =	sadd.s32 s2, s17  }
0x8e: {  	[smem:$0x3FC0] =	sst s2  }
0x8f: {  	_ = 	snop  }
0x90: {  	s2 =	sld [smem:$0x3FD0];
	(tm) =	ssettm $0x1  }
0x91: {  	s18 =	sld [smem:$0x3FFB];
	_ =	sdelay $0x3  }
0x92: {  	_ =	strace s18  }
0x93: {  	s3 =	sld [smem:$0x3FFC];
	_ =	sdelay $0x3  }
0x94: {  	_ =	strace s3  }
0x95: {  	s3 =	sld [smem:$0x3FFD];
	_ =	sdelay $0x3  }
0x96: {  	_ =	strace s3  }
0x97: {  	_ =	strace $0x8FFFFFFF  }
0x98: {  	s19 =	sld [smem:$0x3FDB];
	_ =	sdelay $0x1  }
0x99: {  	s4 =	simm.s32 $_scs_section_size  }
0x9a: {  	s5 =	simm.s32 $_size__tile_overlayer_lowered;
	s6 =	simm.s32 $_tile_overlayer_lowered  }
0x9b: {  	s22 =	simm.s32 $0x1BFF;
	s21 =	sshll.u32 s6, $0x1;
	s3 =	sadd.s32 s4, s19  }
0x9c: {  	s7 =	simm.s32 $0x0;
	s20 =	sshll.u32 s5, $0x1;
	s5 =	sadd.s32 s21, s3  }
0x9d: {  	[timem:s7], [sflag:s22] =	dma.local [hbm:s5], s20  }
0x9e: {  	_ =	swait.ge [sflag:s22], s20  }
0x9f: {  	s4 =	ssub.s32 $0x0, s20;
	[sflag:s22] =	ssyncset.done $0x0  }
0xa0: {  	[sflag:s22] =	ssyncadd.s32 s4;
	_ =	sdelay $0x1  }
0xa1: {  	s23 =	simm.s32 $0x1B8B  }
0xa2: {  	_ =	swait.ge [sflag:s23], $0x1  }
0xa3: {  	[sflag:s23] =	ssyncset.done $0x0  }
0xa4: {  	s25 =	simm.s32 $0x1B8E;
	s24 =	sld [smem:$0x3FFE];
	[sflag:s23] =	ssyncadd.s32 $0xFFFFFFFF  }
0xa5: {  	s26 =	simm.s32 $execute0_lowered;
	[smem:$0x3FD2] =	sst s25  }
0xa6: {  	s5 =	sshll.u32 s26, $0x1;
	_ =	strace $0x8000004C;
	[dreg:$0x1] =	wrdreg $0xFFFFFFFF  }
0xa7: {  	s28 =	simm.s32 $_size_execute0_lowered;
	s3 =	sadd.s32 s3, s5;
	[dreg:$0x0] =	wrdreg $0x0  }
0xa8: {  	s5 =	sshll.u32 s28, $0x1;
	[dreg:$0x2] =	wrdreg s3  }
0xa9: {  	[dreg:$0x3] =	wrdreg s5  }
0xaa: {  	[dreg:$0x4] =	wrdreg $0xC0  }
0xab: {  	_ =	task [dreg:s7], $0x5FFFF  }
0xac: {  	[dreg:$0x1] =	wrdreg $0xFFFFFFFF  }
0xad: {  	[dreg:$0x0] =	wrdreg $0x60  }
0xae: {  	[dreg:$0x2] =	wrdreg s24  }
0xaf: {  	[dreg:$0x3] =	wrdreg s2  }
0xb0: {  	[dreg:$0x4] =	wrdreg $0x150000  }
0xb1: {  	[dreg:$0x5] =	wrdreg $0xB0000  }
0xb2: {  	[dreg:$0x6] =	wrdreg $0x9  }
0xb3: {  	_ =	task.clear_ibuf [dreg:s7], $0x7FFFF;
	_ =	strace $0x9000004C  }
0xb4: {  	s29 =	simm.s32 $0x9;
	_ =	strace $0x8000004E  }
0xb5: {  	_ =	swait.ge [sflag:s29], $0x1  }
0xb6: {  	[sflag:s29] =	ssyncadd.s32 $0xFFFFFFFF  }
0xb7: {  	_ =	strace $0x9000004E  }
0xb8: {  	_ =	sfence  }
0xb9: {  	s30 =	sld [smem:$0x0];
	_ =	sdelay $0x2  }
0xba: {  	s31 =	sshll.u32 s1, $0xD;
	s1 =	sshrl.u32 s1, $0x2  }
0xbb: {  	s3 =	sand.u32 $0x4000, s31;
	s1 =	sadd.s32 s1, s30  }
0xbc: {  	s0 =	sor.u32 s3, s0;
	s1 =	sshll.u32 s1, $0x11  }
0xbd: {  	s0 =	sor.u32 s1, s0  }
0xbe: {  	s0 =	sadd.s32 $0x8F2B, s0  }
0xbf: {  	[sflag:s0] =	ssyncadd.remote.s32 $0x1  }
0xc0: {  	_ =	sfence.sel $0xFFFF  }
0xc1: {  	[dreg:$0x0] =	wrdreg $0xFFFFFFFF;
	(pc) =	sbr.abs _section_cstart, $3  }
0xc2: {  	[dreg:$0x1] =	wrdreg $0xFFFFFFFF  }
0xc3: {  	_ =	task.clear_ibuf [dreg:s7], $0x2FFFF;
	_ =	strace $0x9FFFFFFF  }
0xc4: {  	(tm) =	ssettm $0x7FFFFFFF  }
0xc5: {  	_ =	shalt  }
tec
execute0_lowered:
.L_overlay_start_1:
0x0: {  	(tag) =	ssettag $0x1  }
0x1: {  	s6 =	rddreg [dreg:$0x0]  }
0x2: {  	s2 =	rddreg [dreg:$0x1]  }
0x3: {  	s3 =	rddreg [dreg:$0x2]  }
0x4: {  	s4 =	rddreg [dreg:$0x3]  }
0x5: {  	s0 =	rddreg [dreg:$0x4]  }
0x6: {  	s1 =	stileid.u32;
	s5 =	srdreg.scid  }
0x7: {  	s16 =	simm.s32 $0x5000;
	s17 =	simm.s32 $0x7000;
	s18 =	simm.s32 $0x1  }
0x8: {  	s19 =	simm.s32 $0x2;
	s20 =	simm.s32 $0x0;
	s7 =	smul.u32 $0xA000, s1  }
0x9: {  	s8 =	sand.u32 $0x1, s5;
	s9 =	sshll.u32 s1, $0x1;
	s5 =	simm.s32 $0x0  }
0xa: {  	s12 =	sshll.u32 s1, $0x6;
	s9 =	sor.u32 s8, s9;
	s10 =	smul.u32 $0xA0000, s8  }
0xb: {  	[smem:$0x7FF] =	sst s5;
	s8 =	ssub.s32 $0x2, s8;
	s11 =	sshrl.u32 s7, $0x3  }
0xc: {  	s9 =	smul.u32 $0x500, s9;
	_ =	strace $0x8000004D;
	s31 =	sshrl.u32 s8, $0x1  }
0xd: {  	s14 =	sadd.s32 s7, s3;
	s15 =	sadd.s32 s7, s4;
	s11 =	sadd.s32 s11, s6  }
0xe: {  	s10 =	sadd.s32 s7, s10;
	s13 =	ssub.s32 s8, s31;
	s9 =	sadd.s32 s9, s6  }
0xf: {  	s10 =	sshrl.u32 s10, $0x3;
	s7 =	sadd.s32 $0x21000, s11;
	s11 =	smax.u32 s13, $0x1  }
0x10: {  	s13 =	simm.s32 $0x3;
	s10 =	sadd.s32 s10, s6;
	s6 =	sor.u32 $0x1C03, s12  }
0x11: {  	s8 =	sadd.s32 $0x17000, s9;
	s9 =	sadd.s32 $0x2A00, s9;
	s12 =	sshrl.u32 s14, $0x3  }
0x12: {  	s14 =	sshrl.u32 s15, $0x3;
	s15 =	simm.s32 $0x80;
	s10 =	sadd.s32 $0x35000, s10  }
.LBB2_1:
0x13: {  	[spmem:s12], [sflag:s6] =	dma.local [hbm:s2], $0x1400  }
0x14: {  	_ =	swait.ge [sflag:s13], $0x1400  }
0x15: {  	[sflag:s13] =	ssyncset.done $0x0  }
0x16: {  	[sflag:s13] =	ssyncadd.s32 $0xFFFFEC00  }
0x17: {  	[spmem:s14], [sflag:s6] =	dma.local [hbm:s7], $0x1400  }
0x18: {  	_ =	swait.ge [sflag:s13], $0x1400  }
0x19: {  	[sflag:s13] =	ssyncset.done $0x0  }
0x1a: {  	[sflag:s13] =	ssyncadd.s32 $0xFFFFEC00  }
0x1b: {  	[tilespmem:s5], [sflag:$0x3] =	stream.linear.gather [hbm4b:s8+s5], $0x2800, $0x38;
	[tilespmem:$0x1F000] =	vst v63  }
0x1c: {  	_ =	swait.ge [sflag:s13], $0x2800  }
0x1d: {  	[sflag:s13] =	ssyncset.done $0x0  }
0x1e: {  	s21 =	simm.s32 $0x2800;
	[sflag:s13] =	ssyncadd.s32 $0xFFFFD800  }
0x1f: {  	[tilespmem:s21], [sflag:$0x3] =	stream.linear.gather [hbm4b:s9+s5], $0x2800, $0x38;
	[tilespmem:$0x1F000] =	vst v63  }
0x20: {  	_ =	swait.ge [sflag:s13], $0x2800  }
0x21: {  	[sflag:s13] =	ssyncset.done $0x0  }
0x22: {  	[sflag:s13] =	ssyncadd.s32 $0xFFFFD800  }
0x23: {  	[bflag:$0x0] =	sbarrier.arrive $0xFFFF  }
0x24: {  	[tilespmem:s16], [sflag:$0x1] =	stream.indirect.gather [spmem:s4], $0x40, s5, s15, $0xb8;
	[tilespmem:$0x1F000] =	vst v63  }
0x25: {  	s22 =	simm.s32 $0x100;
	s23 =	simm.s32 $0x0  }
0x26: {  	[tilespmem:s17], [sflag:$0x1] =	stream.indirect.gather [spmem:s4], $0x40, s15, s15, $0xb8;
	[tilespmem:$0x1F000] =	vst v63  }
.LBB2_2:
0x27: {  	s24 =	smul.u32 $0xAB, s23;
	_ =	sdelay $0x1  }
0x28: {  	s24 =	sshrl.u32 s24, $0x9  }
0x29: {  	s24 =	sand.u32 $0x7F, s24  }
0x2a: {  	s24 =	smul.u32 $0x3, s24;
	_ =	sdelay $0x1  }
0x2b: {  	s24 =	ssub.s32 s23, s24  }
0x2c: {  	_ =	swait.ge [sflag:s18], $0x2000;
	s24 =	sand.u32 $0xFF, s24  }
0x2d: {  	[sflag:s18] =	ssyncset.done $0x0;
	s24 =	sshll.u32 s24, $0xD  }
0x2e: {  	p0 =	seq.s32 s23, $0x0;
	[sflag:s18] =	ssyncadd.s32 $0xFFFFE000;
	s24 =	sadd.s32 $0x5000, s24  }
0x2f: {  	[spmem:s3] =	stream.indirect.scatter.add.f32 [tilespmem:s24], [sflag:$0x2], $0x40, s21, s15, $0xb8;
	[tilespmem:$0x1F000] =	vst v63  }
0x30: {  	s24 =	simm.s32 @!p0 $0x2  }
0x31: {  	p1 =	sgt.u32 @!p0 s23, $0x4D;
	_ =	swait.ge @!p0 [sflag:s24], $0x2000  }
0x32: {  	p1 =	por p0, !p1;
	[sflag:s24] =	ssyncset.done @!p0 $0x0  }
0x33: {  	[sflag:s24] =	ssyncadd.s32 @!p0 $0xFFFFE000;
	s24 =	sadd.s32 @p1 $0x2, s23  }
0x34: {  	s25 =	smul.u32 @p1 $0xAB, s24;
	_ =	sdelay $0x1  }
0x35: {  	s25 =	sshrl.u32 @p1 s25, $0x9  }
0x36: {  	s25 =	sand.u32 @p1 $0x7F, s25  }
0x37: {  	s25 =	smul.u32 @p1 $0x3, s25  }
0x38: {  	s23 =	sadd.s32 $0x1, s23  }
0x39: {  	p0 =	sne.s32 s23, $0x50;
	s24 =	ssub.s32 @p1 s24, s25  }
.Ltmp0:
0x3a: {  	s24 =	sand.u32 @p1 $0xFF, s24;
	(pc) =	sbr.rel @p0 .LBB2_2-.Ltmp0, $4  }
0x3b: {  	s24 =	sshll.u32 @p1 s24, $0xD  }
0x3c: {  	s24 =	sadd.s32 @p1 $0x5000, s24  }
0x3d: {  	[tilespmem:s24], [sflag:$0x1] =	stream.indirect.gather @p1 [spmem:s4], $0x40, s22, s15, $0xb8;
	[tilespmem:$0x1F000] =	vst v63  }
0x3e: {  	s21 =	sadd.s32 $0x80, s21;
	s22 =	sadd.s32 $0x80, s22  }
0x3f: {  	_ =	swait.ge [sflag:s19], $0x2000  }
0x40: {  	s20 =	sadd.s32 $0x1, s20;
	[sflag:s19] =	ssyncset.done $0x0  }
0x41: {  	p0 =	sne.s32 s20, s11;
	[sflag:s19] =	ssyncadd.s32 $0xFFFFE000  }
.Ltmp1:
0x42: {  	[bflag:$0x0] =	sbarrier.arrive $0xFFFF;
	(pc) =	sbr.rel @p0 .LBB2_1-.Ltmp1, $4  }
0x43: {  	[hbm:s10], [sflag:s6] =	dma.local [spmem:s12], $0x1400  }
0x44: {  	_ =	swait.ge [sflag:s13], $0x1400  }
0x45: {  	[sflag:s13] =	ssyncset.done $0x0  }
0x46: {  	[sflag:s13] =	ssyncadd.s32 $0xFFFFEC00  }
0x47: {  	_ =	sfence.sel $0x180000  }
0x48: {  	[bflag:$0x0] =	sbarrier.arrive $0xFFFF  }
0x49: {  	p0 =	sne.s32 s1, $0x0;
	_ =	strace $0x9000004D  }
0x4a: {  	s0 =	sadd.s32 @!p0 $0x100000, s0;
	[bflag:$0x2] =	sbarrier.arrive $0xFFFF  }
0x4b: {  	[sflag:s0] =	ssyncadd.tile.s32 @!p0 $0x1;
	_ =	shalt  }
.Lfunc_end2:
_tile_overlayer_lowered:
.L_overlay_start_2:
0x4c: {  	(tag) =	ssettag $0x2  }
0x4d: {  	s0 =	rddreg [dreg:$0x0];
	s2 =	stileid.u32  }
0x4e: {  	s1 =	rddreg [dreg:$0x1];
	p0 =	sne.s32 s2, $0x0  }
0x4f: {  	s3 =	rddreg [dreg:$0x2];
	[bflag:$0x3] =	sbarrier.arrive $0xFFFF;
	s2 =	simm.s32 @!p0 $0x1C03  }
0x50: {  	[timem:s3], [sflag:s2] =	dma.local @!p0 [hbm:s0], s1  }
0x51: {  	s0 =	simm.s32 @!p0 $0x3  }
0x52: {  	_ =	swait.ge @!p0 [sflag:s0], s1  }
0x53: {  	s1 =	ssub.s32 @!p0 $0x0, s1;
	[sflag:s0] =	ssyncset.done @!p0 $0x0  }
0x54: {  	[sflag:s0] =	ssyncadd.s32 @!p0 s1  }
0x55: {  	[bflag:$0x3] =	sbarrier.arrive $0xFFFF  }
0x56: {  	_ =	shalt  }

// kernel: kernel.19.cloned.1.call-start
scs
__scs_entry_jumppad:
0x0: {  	(pc) =	sbr.rel $0x88, $3  }
0x1: {  	(tag) =	ssettag $0x0;
	lr =	simm.s32 $0x1  }
0x2: {  	[smem:$0x3F99] =	sst lr;
	_ =	strace $0xD0000000  }
0x3: {  	_ = 	snop  }
0x4: {  	_ = 	snop  }
0x5: {  	_ = 	snop  }
0x6: {  	_ = 	snop  }
0x7: {  	_ = 	snop  }
__scs_overlays_trampoline_lowered:
0x8: {  	[smem:$0x3FA8] =	sst s0  }
0x9: {  	[smem:$0x3FA9] =	sst s1  }
0xa: {  	[smem:$0x3FAA] =	sst s2  }
0xb: {  	[smem:$0x3FAB] =	sst s3  }
0xc: {  	[smem:$0x3FAC] =	sst s4  }
0xd: {  	[smem:$0x3FAD] =	sst s5  }
0xe: {  	[smem:$0x3FAE] =	sst s6  }
0xf: {  	[smem:$0x3FAF] =	sst s7  }
0x10: {  	[smem:$0x3FB0] =	sst s8  }
0x11: {  	[smem:$0x3FB1] =	sst s9;
	s0 =	simm.s32 @!p0 $0x0  }
0x12: {  	s1 =	sld [smem:$0x3F97];
	s0 =	simm.s32 @p0 $0x1  }
0x13: {  	[smem:$0x3FB2] =	sst s0;
	s0 =	simm.s32 @!p1 $0x0  }
0x14: {  	s2 =	sld [smem:$0x3F96];
	s0 =	simm.s32 @p1 $0x1  }
0x15: {  	[smem:$0x3FB3] =	sst s0;
	s0 =	simm.s32 @!p2 $0x0  }
0x16: {  	s3 =	sld [smem:$0x3FDB];
	s0 =	simm.s32 @p2 $0x1  }
0x17: {  	s4 =	simm.s32 $0x1BF5;
	[smem:$0x3FB5] =	sst s0  }
0x18: {  	s0 =	sld [smem:$0x3F98];
	_ =	swait.ge [sflag:s4], $0x0  }
0x19: {  	s7 =	sld [smem:$0x3F99]  }
0x1a: {  	s8 =	sadd.s32 $0xFFFFE003, lr  }
0x1b: {  	s9 =	sadd.s32 $0xFFFFFEF7, lr;
	s5 =	simm.s32 $0xFFFFFFFF;
	p2 =	slt.u32 s8, $0xFFFFF086  }
0x1c: {  	p1 =	slt.u32 s9, $0xF7A;
	s5 =	simm.s32 @!p2 $0x0  }
0x1d: {  	s5 =	simm.s32 @p1 $0x1;
	p0 =	seq.s32 s7, s2  }
0x1e: {  	s7 =	smul.u32 @!p0 $0xF7A, s2;
	p2 =	seq.s32 @!p0 s5, $0x0  }
0x1f: {  	s9 =	smul.u32 $0xF7A, s1;
	s8 =	simm.s32 @!p0 $0x1BF5;
	p2 =	por !p2, p0  }
0x20: {  	[sflag:s8] =	ssyncset.s32 @!p0 $0xFFFFF086;
	s6 =	sadd.s32 @!p0 s3, s7;
	s7 =	simm.s32 @!p0 $0x108  }
0x21: {  	s3 =	sadd.s32 s3, s9;
	s6 =	sadd.s32 @!p0 $0x88, s6;
	s7 =	simm.s32 @p2 $0x1082  }
0x22: {  	[simem:s7], [sflag:s8] =	dma.local @!p0 [hbm:s6], $0xF7A  }
0x23: {  	s9 =	sor.u32 $0xD0000000, s2;
	s6 =	simm.s32 $0x108;
	_ =	swait.ge @!p0 [sflag:s8], $0x0  }
0x24: {  	s3 =	sadd.s32 $0x88, s3;
	s6 =	simm.s32 @!p1 $0x1082;
	[sflag:s4] =	ssyncset.s32 $0xFFFFF086  }
0x25: {  	[simem:s6], [sflag:s4] =	dma.local [hbm:s3], $0xF7A  }
0x26: {  	[smem:$0x3F99] =	sst s1;
	(tag) =	ssettag s2;
	_ =	strace s9  }
0x27: {  	s1 =	sld [smem:$0x3FA9]  }
0x28: {  	s2 =	sld [smem:$0x3FAA]  }
0x29: {  	s4 =	sld [smem:$0x3FAC]  }
0x2a: {  	p0 =	seq.s32 s5, $0x0;
	s5 =	sld [smem:$0x3FAD]  }
0x2b: {  	s6 =	sld [smem:$0x3FAE]  }
0x2c: {  	s7 =	sld [smem:$0x3FAF]  }
0x2d: {  	s3 =	simm.s32 $0x108;
	s8 =	sld [smem:$0x3FB0]  }
0x2e: {  	s3 =	simm.s32 @!p0 $0x1082;
	s9 =	sld [smem:$0x3FB1]  }
0x2f: {  	lr =	sadd.s32 s0, s3;
	s0 =	sld [smem:$0x3FA8]  }
0x30: {  	s3 =	sld [smem:$0x3FAB]  }
0x31: {  	[smem:$0x3FB4] =	sst s10  }
0x32: {  	s10 =	sld [smem:$0x3FB2];
	_ =	sdelay $0x3  }
0x33: {  	p0 =	seq.s32 s10, $0x1;
	s10 =	sld [smem:$0x3FB4];
	_ =	sdelay $0x3  }
0x34: {  	[smem:$0x3FB4] =	sst s10  }
0x35: {  	s10 =	sld [smem:$0x3FB3];
	_ =	sdelay $0x3  }
0x36: {  	p1 =	seq.s32 s10, $0x1;
	s10 =	sld [smem:$0x3FB4];
	_ =	sdelay $0x3  }
0x37: {  	[smem:$0x3FB4] =	sst s10  }
0x38: {  	s10 =	sld [smem:$0x3FB5]  }
0x39: {  	_ = 	snop;
	(pc) =	sbr.ind lr, $3  }
0x3a: {  	_ = 	snop  }
0x3b: {  	_ = 	snop  }
0x3c: {  	p2 =	seq.s32 s10, $0x1;
	s10 =	sld [smem:$0x3FB4]  }
0x3d: {  	_ =	shalt  }
0x3e: {  	_ =	shalt  }
0x3f: {  	_ =	shalt  }
0x40: {  	_ =	shalt  }
0x41: {  	_ =	shalt  }
0x42: {  	_ =	shalt  }
0x43: {  	_ =	shalt  }
0x44: {  	_ =	shalt  }
0x45: {  	_ =	shalt  }
0x46: {  	_ =	shalt  }
0x47: {  	_ =	shalt  }
0x48: {  	_ =	shalt  }
0x49: {  	_ =	shalt  }
0x4a: {  	_ =	shalt  }
0x4b: {  	_ =	shalt  }
0x4c: {  	_ =	shalt  }
0x4d: {  	_ =	shalt  }
0x4e: {  	_ =	shalt  }
0x4f: {  	_ =	shalt  }
0x50: {  	_ =	shalt  }
0x51: {  	_ =	shalt  }
0x52: {  	_ =	shalt  }
0x53: {  	_ =	shalt  }
0x54: {  	_ =	shalt  }
0x55: {  	_ =	shalt  }
0x56: {  	_ =	shalt  }
0x57: {  	_ =	shalt  }
0x58: {  	_ =	shalt  }
0x59: {  	_ =	shalt  }
0x5a: {  	_ =	shalt  }
0x5b: {  	_ =	shalt  }
0x5c: {  	_ =	shalt  }
0x5d: {  	_ =	shalt  }
0x5e: {  	_ =	shalt  }
0x5f: {  	_ =	shalt  }
0x60: {  	_ =	shalt  }
0x61: {  	_ =	shalt  }
0x62: {  	_ =	shalt  }
0x63: {  	_ =	shalt  }
0x64: {  	_ =	shalt  }
0x65: {  	_ =	shalt  }
0x66: {  	_ =	shalt  }
0x67: {  	_ =	shalt  }
0x68: {  	_ =	shalt  }
0x69: {  	_ =	shalt  }
0x6a: {  	_ =	shalt  }
0x6b: {  	_ =	shalt  }
0x6c: {  	_ =	shalt  }
0x6d: {  	_ =	shalt  }
0x6e: {  	_ =	shalt  }
0x6f: {  	_ =	shalt  }
0x70: {  	_ =	shalt  }
0x71: {  	_ =	shalt  }
0x72: {  	_ =	shalt  }
0x73: {  	_ =	shalt  }
0x74: {  	_ =	shalt  }
0x75: {  	_ =	shalt  }
0x76: {  	_ =	shalt  }
0x77: {  	_ =	shalt  }
0x78: {  	_ =	shalt  }
0x79: {  	_ =	shalt  }
0x7a: {  	_ =	shalt  }
0x7b: {  	_ =	shalt  }
0x7c: {  	_ =	shalt  }
0x7d: {  	_ =	shalt  }
0x7e: {  	_ =	shalt  }
0x7f: {  	_ =	shalt  }
0x80: {  	_ =	shalt  }
0x81: {  	_ =	shalt  }
0x82: {  	_ =	shalt  }
0x83: {  	_ =	shalt  }
0x84: {  	_ =	shalt  }
0x85: {  	_ =	shalt  }
0x86: {  	_ =	shalt  }
0x87: {  	_ =	shalt  }
.Lfunc_end0:
.L_simem_size_0:
called_computation.3_lowered:
.L_overlay_start_0:
0x88: {  	s2 =	sld [smem:$0x3FD9]  }
0x89: {  	s3 =	sld [smem:$0x3FFE];
	_ =	sdelay $0x1  }
0x8a: {  	s1 =	srdreg.scid  }
0x8b: {  	s0 =	sand.u32 $0x1, s1  }
0x8c: {  	s16 =	sshll.u32 s0, $0xA;
	s2 =	sadd.s32 s3, s2  }
0x8d: {  	s2 =	sadd.s32 s2, s16  }
0x8e: {  	[smem:$0x3FC0] =	sst s2  }
0x8f: {  	_ = 	snop  }
0x90: {  	(tm) =	ssettm $0x1  }
0x91: {  	s17 =	sld [smem:$0x3FFB];
	_ =	sdelay $0x3  }
0x92: {  	_ =	strace s17  }
0x93: {  	s2 =	sld [smem:$0x3FFC];
	_ =	sdelay $0x3  }
0x94: {  	_ =	strace s2  }
0x95: {  	s2 =	sld [smem:$0x3FFD];
	_ =	sdelay $0x3  }
0x96: {  	_ =	strace s2  }
0x97: {  	_ =	strace $0x8FFFFFFF  }
0x98: {  	s18 =	sld [smem:$0x3FDB];
	_ =	sdelay $0x1  }
0x99: {  	s19 =	simm.s32 $_scs_section_size  }
0x9a: {  	s4 =	simm.s32 $_size__tile_overlayer_lowered;
	s5 =	simm.s32 $_tile_overlayer_lowered  }
0x9b: {  	s22 =	simm.s32 $0x1BFF;
	s21 =	sshll.u32 s5, $0x1;
	s2 =	sadd.s32 s19, s18  }
0x9c: {  	s6 =	simm.s32 $0x0;
	s20 =	sshll.u32 s4, $0x1;
	s4 =	sadd.s32 s21, s2  }
0x9d: {  	[timem:s6], [sflag:s22] =	dma.local [hbm:s4], s20  }
0x9e: {  	_ =	swait.ge [sflag:s22], s20  }
0x9f: {  	s3 =	ssub.s32 $0x0, s20;
	[sflag:s22] =	ssyncset.done $0x0  }
0xa0: {  	[sflag:s22] =	ssyncadd.s32 s3;
	_ =	sdelay $0x1  }
0xa1: {  	s23 =	simm.s32 $0x1B8B  }
0xa2: {  	_ =	swait.ge [sflag:s23], $0x1  }
0xa3: {  	[sflag:s23] =	ssyncset.done $0x0  }
0xa4: {  	s25 =	simm.s32 $0x1B8E;
	s24 =	sld [smem:$0x3FFE];
	[sflag:s23] =	ssyncadd.s32 $0xFFFFFFFF  }
0xa5: {  	s26 =	simm.s32 $execute0_lowered;
	[smem:$0x3FD2] =	sst s25  }
0xa6: {  	s4 =	sshll.u32 s26, $0x1;
	_ =	strace $0x8000004F;
	[dreg:$0x1] =	wrdreg $0xFFFFFFFF  }
0xa7: {  	s28 =	simm.s32 $_size_execute0_lowered;
	s2 =	sadd.s32 s2, s4;
	[dreg:$0x0] =	wrdreg $0x0  }
0xa8: {  	s4 =	sshll.u32 s28, $0x1;
	[dreg:$0x2] =	wrdreg s2  }
0xa9: {  	[dreg:$0x3] =	wrdreg s4  }
0xaa: {  	[dreg:$0x4] =	wrdreg $0xC0  }
0xab: {  	_ =	task [dreg:s6], $0x5FFFF  }
0xac: {  	[dreg:$0x1] =	wrdreg $0xFFFFFFFF  }
0xad: {  	[dreg:$0x0] =	wrdreg $0x60  }
0xae: {  	[dreg:$0x2] =	wrdreg s24  }
0xaf: {  	[dreg:$0x3] =	wrdreg $0x90000  }
0xb0: {  	[dreg:$0x4] =	wrdreg $0x68000  }
0xb1: {  	[dreg:$0x5] =	wrdreg $0x9  }
0xb2: {  	_ =	task.clear_ibuf [dreg:s6], $0x6FFFF;
	_ =	strace $0x9000004F  }
0xb3: {  	s29 =	simm.s32 $0x9;
	_ =	strace $0x80000051  }
0xb4: {  	_ =	swait.ge [sflag:s29], $0x1  }
0xb5: {  	[sflag:s29] =	ssyncadd.s32 $0xFFFFFFFF  }
0xb6: {  	_ =	strace $0x90000051  }
0xb7: {  	_ =	sfence  }
0xb8: {  	s30 =	sld [smem:$0x0];
	_ =	sdelay $0x2  }
0xb9: {  	s31 =	sshll.u32 s1, $0xD;
	s1 =	sshrl.u32 s1, $0x2  }
0xba: {  	s3 =	sand.u32 $0x4000, s31;
	s1 =	sadd.s32 s1, s30  }
0xbb: {  	s0 =	sor.u32 s3, s0;
	s1 =	sshll.u32 s1, $0x11  }
0xbc: {  	s0 =	sor.u32 s1, s0  }
0xbd: {  	s0 =	sadd.s32 $0x8F2B, s0  }
0xbe: {  	[sflag:s0] =	ssyncadd.remote.s32 $0x1  }
0xbf: {  	_ =	sfence.sel $0xFFFF  }
0xc0: {  	[dreg:$0x0] =	wrdreg $0xFFFFFFFF;
	(pc) =	sbr.abs _section_cstart, $3  }
0xc1: {  	[dreg:$0x1] =	wrdreg $0xFFFFFFFF  }
0xc2: {  	_ =	task.clear_ibuf [dreg:s6], $0x2FFFF;
	_ =	strace $0x9FFFFFFF  }
0xc3: {  	(tm) =	ssettm $0x7FFFFFFF  }
tec
execute0_lowered:
.L_overlay_start_1:
0x0: {  	(tag) =	ssettag $0x1  }
0x1: {  	s6 =	rddreg [dreg:$0x0];
	s0 =	stileid.u32  }
0x2: {  	s1 =	srdreg.scid;
	s2 =	rddreg [dreg:$0x1]  }
0x3: {  	s3 =	rddreg [dreg:$0x2];
	s4 =	simm.s32 $0x0;
	s16 =	simm.s32 $0x5000  }
0x4: {  	s17 =	simm.s32 $0x5800;
	s18 =	simm.s32 $0x1;
	s19 =	simm.s32 $0x2  }
0x5: {  	s20 =	simm.s32 $0x0;
	s7 =	sand.u32 $0x1, s1;
	s1 =	rddreg [dreg:$0x3]  }
0x6: {  	s29 =	sshll.u32 s0, $0x1;
	s8 =	smul.u32 $0x2800, s0;
	[smem:$0x7FF] =	sst s4  }
0x7: {  	s31 =	sshll.u32 s0, $0x6;
	s5 =	sor.u32 s7, s29;
	s9 =	smul.u32 $0x28000, s7  }
0x8: {  	_ =	strace $0x80000050;
	s7 =	ssub.s32 $0x2, s7;
	s5 =	smul.u32 $0x500, s5  }
0x9: {  	s10 =	sshrl.u32 s8, $0x3;
	s30 =	sshrl.u32 s7, $0x1;
	s14 =	sadd.s32 s8, s2  }
0xa: {  	s15 =	sadd.s32 s8, s3;
	s10 =	sadd.s32 s10, s6;
	s9 =	sadd.s32 s8, s9  }
0xb: {  	s13 =	ssub.s32 s7, s30;
	s11 =	sadd.s32 s5, s6;
	s9 =	sshrl.u32 s9, $0x3  }
0xc: {  	s5 =	sadd.s32 $0xCA00, s6;
	s7 =	sadd.s32 $0xD000, s10;
	s12 =	sadd.s32 s9, s6  }
0xd: {  	s6 =	sor.u32 $0x1C03, s31;
	s8 =	sadd.s32 $0x17000, s11;
	s9 =	sadd.s32 $0x2A00, s11  }
0xe: {  	s11 =	smax.u32 s13, $0x1;
	s13 =	simm.s32 $0x3;
	s10 =	sadd.s32 $0x21000, s12  }
0xf: {  	s12 =	sshrl.u32 s14, $0x3;
	s14 =	sshrl.u32 s15, $0x3;
	s15 =	simm.s32 $0x80  }
.LBB2_1:
0x10: {  	[spmem:s12], [sflag:s6] =	dma.local [hbm:s5], $0x500  }
0x11: {  	_ =	swait.ge [sflag:s13], $0x500  }
0x12: {  	[sflag:s13] =	ssyncset.done $0x0  }
0x13: {  	[sflag:s13] =	ssyncadd.s32 $0xFFFFFB00  }
0x14: {  	[spmem:s14], [sflag:s6] =	dma.local [hbm:s7], $0x500  }
0x15: {  	_ =	swait.ge [sflag:s13], $0x500  }
0x16: {  	[sflag:s13] =	ssyncset.done $0x0  }
0x17: {  	[sflag:s13] =	ssyncadd.s32 $0xFFFFFB00  }
0x18: {  	[tilespmem:s4], [sflag:$0x3] =	stream.linear.gather [hbm4b:s8+s4], $0x2800, $0x38;
	[tilespmem:$0xB800] =	vst v63  }
0x19: {  	_ =	swait.ge [sflag:s13], $0x2800  }
0x1a: {  	[sflag:s13] =	ssyncset.done $0x0  }
0x1b: {  	s21 =	simm.s32 $0x2800;
	[sflag:s13] =	ssyncadd.s32 $0xFFFFD800  }
0x1c: {  	[tilespmem:s21], [sflag:$0x3] =	stream.linear.gather [hbm4b:s9+s4], $0x2800, $0x38;
	[tilespmem:$0xB800] =	vst v63  }
0x1d: {  	_ =	swait.ge [sflag:s13], $0x2800  }
0x1e: {  	[sflag:s13] =	ssyncset.done $0x0  }
0x1f: {  	[sflag:s13] =	ssyncadd.s32 $0xFFFFD800  }
0x20: {  	[bflag:$0x0] =	sbarrier.arrive $0xFFFF  }
0x21: {  	[tilespmem:s16], [sflag:$0x1] =	stream.indirect.gather [spmem:s3], $0x10, s4, s15, $0xb8;
	[tilespmem:$0xB800] =	vst v63  }
0x22: {  	s22 =	simm.s32 $0x100;
	s23 =	simm.s32 $0x0  }
0x23: {  	[tilespmem:s17], [sflag:$0x1] =	stream.indirect.gather [spmem:s3], $0x10, s15, s15, $0xb8;
	[tilespmem:$0xB800] =	vst v63  }
.LBB2_2:
0x24: {  	s24 =	smul.u32 $0xAB, s23;
	_ =	sdelay $0x1  }
0x25: {  	s24 =	sshrl.u32 s24, $0x9  }
0x26: {  	s24 =	sand.u32 $0x7F, s24  }
0x27: {  	s24 =	smul.u32 $0x3, s24;
	_ =	sdelay $0x1  }
0x28: {  	s24 =	ssub.s32 s23, s24  }
0x29: {  	_ =	swait.ge [sflag:s18], $0x800;
	s24 =	sand.u32 $0xFF, s24  }
0x2a: {  	[sflag:s18] =	ssyncset.done $0x0;
	s24 =	sshll.u32 s24, $0xB  }
0x2b: {  	p0 =	seq.s32 s23, $0x0;
	[sflag:s18] =	ssyncadd.s32 $0xFFFFF800;
	s24 =	sadd.s32 $0x5000, s24  }
0x2c: {  	[spmem:s2] =	stream.indirect.scatter.add.f32 [tilespmem:s24], [sflag:$0x2], $0x10, s21, s15, $0xb8;
	[tilespmem:$0xB800] =	vst v63  }
0x2d: {  	s24 =	simm.s32 @!p0 $0x2  }
0x2e: {  	p1 =	sgt.u32 @!p0 s23, $0x4D;
	_ =	swait.ge @!p0 [sflag:s24], $0x800  }
0x2f: {  	p1 =	por p0, !p1;
	[sflag:s24] =	ssyncset.done @!p0 $0x0  }
0x30: {  	[sflag:s24] =	ssyncadd.s32 @!p0 $0xFFFFF800;
	s24 =	sadd.s32 @p1 $0x2, s23  }
0x31: {  	s25 =	smul.u32 @p1 $0xAB, s24;
	_ =	sdelay $0x1  }
0x32: {  	s25 =	sshrl.u32 @p1 s25, $0x9  }
0x33: {  	s25 =	sand.u32 @p1 $0x7F, s25  }
0x34: {  	s25 =	smul.u32 @p1 $0x3, s25  }
0x35: {  	s23 =	sadd.s32 $0x1, s23  }
0x36: {  	p0 =	sne.s32 s23, $0x50;
	s24 =	ssub.s32 @p1 s24, s25  }
.Ltmp0:
0x37: {  	s24 =	sand.u32 @p1 $0xFF, s24;
	(pc) =	sbr.rel @p0 .LBB2_2-.Ltmp0, $4  }
0x38: {  	s24 =	sshll.u32 @p1 s24, $0xB  }
0x39: {  	s24 =	sadd.s32 @p1 $0x5000, s24  }
0x3a: {  	[tilespmem:s24], [sflag:$0x1] =	stream.indirect.gather @p1 [spmem:s3], $0x10, s22, s15, $0xb8;
	[tilespmem:$0xB800] =	vst v63  }
0x3b: {  	s21 =	sadd.s32 $0x80, s21;
	s22 =	sadd.s32 $0x80, s22  }
0x3c: {  	_ =	swait.ge [sflag:s19], $0x800  }
0x3d: {  	s20 =	sadd.s32 $0x1, s20;
	[sflag:s19] =	ssyncset.done $0x0  }
0x3e: {  	p0 =	sne.s32 s20, s11;
	[sflag:s19] =	ssyncadd.s32 $0xFFFFF800  }
.Ltmp1:
0x3f: {  	[bflag:$0x0] =	sbarrier.arrive $0xFFFF;
	(pc) =	sbr.rel @p0 .LBB2_1-.Ltmp1, $4  }
0x40: {  	[hbm:s10], [sflag:s6] =	dma.local [spmem:s12], $0x500  }
0x41: {  	_ =	swait.ge [sflag:s13], $0x500  }
0x42: {  	[sflag:s13] =	ssyncset.done $0x0  }
0x43: {  	[sflag:s13] =	ssyncadd.s32 $0xFFFFFB00  }
0x44: {  	_ =	sfence.sel $0x180000  }
0x45: {  	[bflag:$0x0] =	sbarrier.arrive $0xFFFF  }
0x46: {  	p0 =	sne.s32 s0, $0x0;
	_ =	strace $0x90000050  }
0x47: {  	s0 =	sadd.s32 @!p0 $0x100000, s1;
	[bflag:$0x2] =	sbarrier.arrive $0xFFFF  }
0x48: {  	[sflag:s0] =	ssyncadd.tile.s32 @!p0 $0x1;
	_ =	shalt  }
.Lfunc_end2:
_tile_overlayer_lowered:
.L_overlay_start_2:
0x49: {  	(tag) =	ssettag $0x2  }
0x4a: {  	s0 =	rddreg [dreg:$0x0];
	s2 =	stileid.u32  }
0x4b: {  	s1 =	rddreg [dreg:$0x1];
	p0 =	sne.s32 s2, $0x0  }
0x4c: {  	s3 =	rddreg [dreg:$0x2];
	[bflag:$0x3] =	sbarrier.arrive $0xFFFF;
	s2 =	simm.s32 @!p0 $0x1C03  }
0x4d: {  	[timem:s3], [sflag:s2] =	dma.local @!p0 [hbm:s0], s1  }
0x4e: {  	s0 =	simm.s32 @!p0 $0x3  }
0x4f: {  	_ =	swait.ge @!p0 [sflag:s0], s1  }
0x50: {  	s1 =	ssub.s32 @!p0 $0x0, s1;
	[sflag:s0] =	ssyncset.done @!p0 $0x0  }
0x51: {  	[sflag:s0] =	ssyncadd.s32 @!p0 s1  }
0x52: {  	[bflag:$0x3] =	sbarrier.arrive $0xFFFF  }
0x53: {  	_ =	shalt  }

</sc_bundles>
